<compile_context>
chip_gen: v7x
topology: tpu7x:2x2x1
jax: 0.10.2.dev20260603
libtpu: 0.0.44.dev20260713+nightly
codegen_flags: <defaults>
</compile_context>

<pallas_src>
import functools

import jax
import jax.numpy as jnp
from jax import lax
from jax.experimental import pallas as pl
from jax.experimental.pallas import tpu as pltpu
from jax.experimental.pallas import tpu_sc as plsc

N_NODES = 10000
N_EDGES = 320000
D_FEAT = 128
HIDDEN = 128
N_CLASSES = 10
CPAD = 16

NC, NS, L = 2, 16, 16
NW = NC * NS
NPAD = 10240
RPS = NPAD // NS
B = 128
NB = -(-N_EDGES // (NW * B))
EPAD = NW * NB * B

F32 = jnp.float32



def _sc_mesh():
    return plsc.VectorSubcoreMesh(core_axis_name="c", subcore_axis_name="s")


@functools.partial(
    pl.kernel,
    out_type=jax.ShapeDtypeStruct((NW, NPAD), F32),
    mesh=_sc_mesh(),
    compiler_params=pltpu.CompilerParams(needs_layout_passes=False, use_tc_tiling_on_sc=False),
    scratch_types=[
        pltpu.VMEM((NB, B), jnp.int32),
        pltpu.VMEM((NPAD,), F32),
    ],
)
def _deg_kernel(dst_hbm, out_hbm, dst_v, cnt_v):
    c = lax.axis_index("c")
    s = lax.axis_index("s")
    wid = s * NC + c
    pltpu.sync_copy(dst_hbm.at[wid], dst_v)

    zero = jnp.zeros((L,), F32)

    def zbody(i, _):
        cnt_v[pl.ds(i * L, L)] = zero
        return 0

    lax.fori_loop(0, NPAD // L, zbody, 0)

    ones = jnp.ones((L,), F32)

    def body(j, _):
        for t in range(B // L):
            idx = dst_v[j, pl.ds(t * L, L)]
            plsc.addupdate_scatter(cnt_v, [idx], ones)
        return 0

    lax.fori_loop(0, NB, body, 0)
    pltpu.sync_copy(cnt_v, out_hbm.at[wid])


@functools.lru_cache(maxsize=None)
def _make_agg(F, nb0, nb1):
    nbmax = max(nb0, nb1)

    @functools.partial(
        pl.kernel,
        out_type=jax.ShapeDtypeStruct((NC, NPAD, F), F32),
        mesh=_sc_mesh(),
        compiler_params=pltpu.CompilerParams(needs_layout_passes=False, use_tc_tiling_on_sc=False),
        scratch_types=[
            pltpu.VMEM((nbmax, B), jnp.int32),
            pltpu.VMEM((nbmax, B), jnp.int32),
            pltpu.VMEM((B, F), F32),
            pltpu.VMEM_SHARED((NPAD, F), F32),
        ],
    )
    def agg_kernel(y_hbm, src_hbm, dst_hbm, out_hbm, src_v, dst_v, rows_v, acc_sh):
        c = lax.axis_index("c")
        s = lax.axis_index("s")
        wid = s * NC + c
        pltpu.sync_copy(src_hbm.at[wid], src_v)
        pltpu.sync_copy(dst_hbm.at[wid], dst_v)

        zero = jnp.zeros((L,), F32)

        def zbody(r, _):
            for t in range(F // L):
                rows_v[r, pl.ds(t * L, L)] = zero
            return 0

        lax.fori_loop(0, B, zbody, 0)
        for chunk in range(RPS // B):
            pltpu.sync_copy(rows_v, acc_sh.at[pl.ds(s * RPS + chunk * B, B)])
        plsc.subcore_barrier()

        def body(j, _):
            pltpu.sync_copy(y_hbm.at[src_v.at[j]], rows_v)
            pltpu.sync_copy(rows_v, acc_sh.at[dst_v.at[j]], add=True)
            return 0

        if nb0 == nb1:
            lax.fori_loop(0, nb0, body, 0)
        else:
            lax.fori_loop(0, jnp.where(c == 0, nb0, nb1), body, 0)

        plsc.subcore_barrier()
        pltpu.sync_copy(acc_sh.at[pl.ds(s * RPS, RPS)],
                        out_hbm.at[c, pl.ds(s * RPS, RPS)])

    return agg_kernel



_R = 1024
_GRID = NPAD // _R


def _elu(v):
    return jnp.where(v > 0, v, jnp.exp(jnp.minimum(v, 0.0)) - 1.0)


def _b1_body(x_ref, w_ref, degp_ref, y_ref, dinv_ref):
    deg = 1.0 + jnp.sum(degp_ref[...], axis=0)
    dinv = lax.rsqrt(deg)
    xw = jnp.dot(x_ref[...], w_ref[...], preferred_element_type=F32)
    y_ref[...] = xw * dinv[:, None]
    dinv_ref[...] = dinv[:, None]


def _stage1(xp, W1, degp):
    return pl.pallas_call(
        _b1_body,
        grid=(_GRID,),
        in_specs=[
            pl.BlockSpec((_R, D_FEAT), lambda i: (i, 0)),
            pl.BlockSpec((D_FEAT, HIDDEN), lambda i: (0, 0)),
            pl.BlockSpec((NW, _R), lambda i: (0, i)),
        ],
        out_specs=[
            pl.BlockSpec((_R, HIDDEN), lambda i: (i, 0)),
            pl.BlockSpec((_R, 1), lambda i: (i, 0)),
        ],
        out_shape=[
            jax.ShapeDtypeStruct((NPAD, HIDDEN), F32),
            jax.ShapeDtypeStruct((NPAD, 1), F32),
        ],
    )(xp, W1, degp)


def _b2_body(p0_ref, p1_ref, y1_ref, dinv_ref, b1_ref, w2_ref, x1_ref, y2_ref):
    dinv = dinv_ref[...]
    pre = dinv * (p0_ref[...] + p1_ref[...] + y1_ref[...]) + b1_ref[...]
    x1 = _elu(pre)
    x1_ref[...] = x1
    y2_ref[...] = dinv * jnp.dot(x1, w2_ref[...], preferred_element_type=F32)


def _stage2(p0, p1, y1, dinv, b1, W2):
    return pl.pallas_call(
        _b2_body,
        grid=(_GRID,),
        in_specs=[
            pl.BlockSpec((_R, HIDDEN), lambda i: (i, 0)),
            pl.BlockSpec((_R, HIDDEN), lambda i: (i, 0)),
            pl.BlockSpec((_R, HIDDEN), lambda i: (i, 0)),
            pl.BlockSpec((_R, 1), lambda i: (i, 0)),
            pl.BlockSpec((1, HIDDEN), lambda i: (0, 0)),
            pl.BlockSpec((HIDDEN, HIDDEN), lambda i: (0, 0)),
        ],
        out_specs=[
            pl.BlockSpec((_R, HIDDEN), lambda i: (i, 0)),
            pl.BlockSpec((_R, HIDDEN), lambda i: (i, 0)),
        ],
        out_shape=[
            jax.ShapeDtypeStruct((NPAD, HIDDEN), F32),
            jax.ShapeDtypeStruct((NPAD, HIDDEN), F32),
        ],
    )(p0, p1, y1, dinv, b1, W2)


def _b3_body(p0_ref, p1_ref, y2_ref, x1_ref, dinv_ref, b2_ref, w3_ref, y3_ref):
    dinv = dinv_ref[...]
    pre = dinv * (p0_ref[...] + p1_ref[...] + y2_ref[...]) + b2_ref[...] + x1_ref[...]
    x2 = _elu(pre)
    y3_ref[...] = dinv * jnp.dot(x2, w3_ref[...], preferred_element_type=F32)


def _stage3(p0, p1, y2, x1, dinv, b2, W3p):
    return pl.pallas_call(
        _b3_body,
        grid=(_GRID,),
        in_specs=[
            pl.BlockSpec((_R, HIDDEN), lambda i: (i, 0)),
            pl.BlockSpec((_R, HIDDEN), lambda i: (i, 0)),
            pl.BlockSpec((_R, HIDDEN), lambda i: (i, 0)),
            pl.BlockSpec((_R, HIDDEN), lambda i: (i, 0)),
            pl.BlockSpec((_R, 1), lambda i: (i, 0)),
            pl.BlockSpec((1, HIDDEN), lambda i: (0, 0)),
            pl.BlockSpec((HIDDEN, CPAD), lambda i: (0, 0)),
        ],
        out_specs=pl.BlockSpec((_R, CPAD), lambda i: (i, 0)),
        out_shape=jax.ShapeDtypeStruct((NPAD, CPAD), F32),
    )(p0, p1, y2, x1, dinv, b2, W3p)


def _b4_body(p0_ref, p1_ref, y3_ref, dinv_ref, b3_ref, out_ref):
    out_ref[...] = (dinv_ref[...] * (p0_ref[...] + p1_ref[...] + y3_ref[...])
                    + b3_ref[...])


def _stage4(p0, p1, y3, dinv, b3p):
    return pl.pallas_call(
        _b4_body,
        grid=(_GRID,),
        in_specs=[
            pl.BlockSpec((_R, CPAD), lambda i: (i, 0)),
            pl.BlockSpec((_R, CPAD), lambda i: (i, 0)),
            pl.BlockSpec((_R, CPAD), lambda i: (i, 0)),
            pl.BlockSpec((_R, 1), lambda i: (i, 0)),
            pl.BlockSpec((1, CPAD), lambda i: (0, 0)),
        ],
        out_specs=pl.BlockSpec((_R, CPAD), lambda i: (i, 0)),
        out_shape=jax.ShapeDtypeStruct((NPAD, CPAD), F32),
    )(p0, p1, y3, dinv, b3p)



def kernel(x, edge_index, W1, b1, W2, b2, W3, b3):
    ei = edge_index.astype(jnp.int32)
    pad = jnp.full((EPAD - N_EDGES,), N_NODES, jnp.int32)
    srcp = jnp.concatenate([ei[0], pad]).reshape(NW, NB, B)
    dstp = jnp.concatenate([ei[1], pad]).reshape(NW, NB, B)

    xp = jnp.zeros((NPAD, D_FEAT), F32).at[:N_NODES].set(x)
    W3p = jnp.zeros((HIDDEN, CPAD), F32).at[:, :N_CLASSES].set(W3)
    b3p = jnp.zeros((1, CPAD), F32).at[0, :N_CLASSES].set(b3)

    degp = _deg_kernel(dstp)
    y1, dinv = _stage1(xp, W1, degp)

    agg128 = _make_agg(HIDDEN, NB, NB)
    p1 = agg128(y1, srcp, dstp)
    x1, y2 = _stage2(p1[0], p1[1], y1, dinv, b1.reshape(1, HIDDEN), W2)

    p2 = agg128(y2, srcp, dstp)
    y3 = _stage3(p2[0], p2[1], y2, x1, dinv, b2.reshape(1, HIDDEN), W3p)

    p3 = _make_agg(CPAD, NB, NB)(y3, srcp, dstp)
    out = _stage4(p3[0], p3[1], y3, dinv, b3p)
    return out[:N_NODES, :N_CLASSES]

# --- scband reference (transcript-rebuilt; emitter-appended) ---
"""Pipeline reference for scband-gcn-86260123174489 (READ-ONLY COPY).

The authoritative reference and input builder live on the scoring server;
editing this copy changes nothing except your own understanding.
"""

import jax, jax.numpy as jnp
import numpy as np

N_NODES = 10000
N_EDGES = 320000
D_FEAT = 128
HIDDEN = 128
N_CLASSES = 10


def setup_inputs(seed: int = 0) -> dict:
    key = jax.random.key(seed)
    ks = jax.random.split(key, 8)
    x = jax.random.normal(ks[0], (N_NODES, D_FEAT), dtype=jnp.float32)
    edge_index = jax.random.randint(ks[1], (2, N_EDGES), 0, N_NODES, dtype=jnp.int64)
    def glorot(k, shape):
        lim = float(np.sqrt(6.0 / (shape[0] + shape[1])))
        return jax.random.uniform(k, shape, dtype=jnp.float32, minval=-lim, maxval=lim)
    W1 = glorot(ks[2], (D_FEAT, HIDDEN))
    b1 = jnp.zeros((HIDDEN,), dtype=jnp.float32)
    W2 = glorot(ks[3], (HIDDEN, HIDDEN))
    b2 = jnp.zeros((HIDDEN,), dtype=jnp.float32)
    W3 = glorot(ks[4], (HIDDEN, N_CLASSES))
    b3 = jnp.zeros((N_CLASSES,), dtype=jnp.float32)
    return {"x": x, "edge_index": edge_index, "W1": W1, "b1": b1, "W2": W2, "b2": b2, "W3": W3, "b3": b3}


def _gcn_conv(x, edge_index, W, b):
    # GCNConv with self-loops and symmetric normalization (PyG defaults)
    n = x.shape[0]
    xw = x @ W
    loop = jnp.arange(n, dtype=edge_index.dtype)
    src = jnp.concatenate([edge_index[0], loop])
    dst = jnp.concatenate([edge_index[1], loop])
    deg = jnp.zeros((n,), dtype=xw.dtype).at[dst].add(1.0)
    dinv = jnp.where(deg > 0, deg ** -0.5, 0.0)
    norm = dinv[src] * dinv[dst]
    msg = xw[src] * norm[:, None]
    out = jnp.zeros((n, xw.shape[1]), dtype=xw.dtype).at[dst].add(msg)
    return out + b


def reference(x, edge_index, W1, b1, W2, b2, W3, b3):
    # dropout is identity in eval mode
    x1 = jax.nn.elu(_gcn_conv(x, edge_index, W1, b1))
    x2 = jax.nn.elu(_gcn_conv(x1, edge_index, W2, b2) + x1)
    out = _gcn_conv(x2, edge_index, W3, b3)
    return out.reshape(-1, N_CLASSES)

if __name__ == "__main__":
    import jax
    _d = setup_inputs()
    print(jax.jit(kernel)(*tuple(_d.values())))

</pallas_src>

<mosaic_0001>
#map = affine_map<(d0, d1) -> (0, 0)>
#map1 = affine_map<(d0, d1) -> (0, 0, 0)>
module attributes {stable_mosaic.version = 14 : i64} {
  func.func @agg_kernel(%arg0: i32, %arg1: i32, %arg2: memref<10240x128xf32, #tpu.memory_space<hbm>>, %arg3: memref<32x79x128xi32, #tpu.memory_space<hbm>>, %arg4: memref<32x79x128xi32, #tpu.memory_space<hbm>>, %arg5: memref<2x10240x128xf32, #tpu.memory_space<hbm>>, %arg6: memref<79x128xi32, #tpu.memory_space<vmem>>, %arg7: memref<79x128xi32, #tpu.memory_space<vmem>>, %arg8: memref<128x128xf32, #tpu.memory_space<vmem>>, %arg9: memref<10240x128xf32, #tpu.memory_space<vmem_shared>>) attributes {dimension_semantics = [#tpu.dimension_semantics<core_parallel>, #tpu.dimension_semantics<subcore_parallel>], iteration_bounds = array<i64: 2, 16>, scalar_prefetch = 0 : i64, scratch_operands = 4 : i64, tpu.core_type = #tpu.core_type<sc_vector_subcore>, window_params = [{transform_indices = #map}, {transform_indices = #map1}, {transform_indices = #map1}, {transform_indices = #map1}]} {
    %mul3A = arith.constant 2 : i32
    %mul3A_0 = arith.muli %arg1, %mul3A : i32
    %add3A = arith.addi %mul3A_0, %arg0 : i32
    "tpu.region"() ({
      %run_scoped3A = tpu.sem_alloc : memref<!tpu.dma_semaphore, #tpu.memory_space<semaphore_mem>>
      %dma_start3A = arith.constant 0 : i32
      %dma_start3A_40 = arith.constant 0 : i32
      %dma_start3A_41 = tpu.memref_slice %arg3[%add3A, %dma_start3A, %dma_start3A_40] : memref<32x79x128xi32, #tpu.memory_space<hbm>> -> memref<1x79x128xi32, #tpu.memory_space<hbm>>
      %dma_start3A_42 = tpu.memref_squeeze %dma_start3A_41 : memref<1x79x128xi32, #tpu.memory_space<hbm>> -> memref<79x128xi32, #tpu.memory_space<hbm>>
      %dma_start3A_43 = arith.constant 0 : i32
      %dma_start3A_44 = arith.constant 0 : i32
      %dma_start3A_45 = tpu.memref_slice %arg3[%add3A, %dma_start3A_43, %dma_start3A_44] : memref<32x79x128xi32, #tpu.memory_space<hbm>> -> memref<1x79x128xi32, #tpu.memory_space<hbm>>
      %dma_start3A_46 = tpu.memref_squeeze %dma_start3A_45 : memref<1x79x128xi32, #tpu.memory_space<hbm>> -> memref<79x128xi32, #tpu.memory_space<hbm>>
      tpu.enqueue_dma source(%dma_start3A_46 : memref<79x128xi32, #tpu.memory_space<hbm>>) target(%arg6 : memref<79x128xi32, #tpu.memory_space<vmem>>) target_semaphore(%run_scoped3A : memref<!tpu.dma_semaphore, #tpu.memory_space<semaphore_mem>>)
      %dma_wait3A = arith.constant 0 : i32
      %dma_wait3A_47 = arith.constant 0 : i32
      %dma_wait3A_48 = tpu.memref_slice %arg3[%add3A, %dma_wait3A, %dma_wait3A_47] : memref<32x79x128xi32, #tpu.memory_space<hbm>> -> memref<1x79x128xi32, #tpu.memory_space<hbm>>
      %dma_wait3A_49 = tpu.memref_squeeze %dma_wait3A_48 : memref<1x79x128xi32, #tpu.memory_space<hbm>> -> memref<79x128xi32, #tpu.memory_space<hbm>>
      %dma_wait3A_50 = arith.constant 0 : i32
      %dma_wait3A_51 = arith.constant 0 : i32
      %dma_wait3A_52 = tpu.memref_slice %arg3[%add3A, %dma_wait3A_50, %dma_wait3A_51] : memref<32x79x128xi32, #tpu.memory_space<hbm>> -> memref<1x79x128xi32, #tpu.memory_space<hbm>>
      %dma_wait3A_53 = tpu.memref_squeeze %dma_wait3A_52 : memref<1x79x128xi32, #tpu.memory_space<hbm>> -> memref<79x128xi32, #tpu.memory_space<hbm>>
      tpu.wait_dma2 semaphore(%run_scoped3A : memref<!tpu.dma_semaphore, #tpu.memory_space<semaphore_mem>>) src(%dma_wait3A_53 : memref<79x128xi32, #tpu.memory_space<hbm>>) dst(%arg6 : memref<79x128xi32, #tpu.memory_space<vmem>>)
      tpu.yield
    }) : () -> ()
    "tpu.region"() ({
      %run_scoped3A = tpu.sem_alloc : memref<!tpu.dma_semaphore, #tpu.memory_space<semaphore_mem>>
      %dma_start3A = arith.constant 0 : i32
      %dma_start3A_40 = arith.constant 0 : i32
      %dma_start3A_41 = tpu.memref_slice %arg4[%add3A, %dma_start3A, %dma_start3A_40] : memref<32x79x128xi32, #tpu.memory_space<hbm>> -> memref<1x79x128xi32, #tpu.memory_space<hbm>>
      %dma_start3A_42 = tpu.memref_squeeze %dma_start3A_41 : memref<1x79x128xi32, #tpu.memory_space<hbm>> -> memref<79x128xi32, #tpu.memory_space<hbm>>
      %dma_start3A_43 = arith.constant 0 : i32
      %dma_start3A_44 = arith.constant 0 : i32
      %dma_start3A_45 = tpu.memref_slice %arg4[%add3A, %dma_start3A_43, %dma_start3A_44] : memref<32x79x128xi32, #tpu.memory_space<hbm>> -> memref<1x79x128xi32, #tpu.memory_space<hbm>>
      %dma_start3A_46 = tpu.memref_squeeze %dma_start3A_45 : memref<1x79x128xi32, #tpu.memory_space<hbm>> -> memref<79x128xi32, #tpu.memory_space<hbm>>
      tpu.enqueue_dma source(%dma_start3A_46 : memref<79x128xi32, #tpu.memory_space<hbm>>) target(%arg7 : memref<79x128xi32, #tpu.memory_space<vmem>>) target_semaphore(%run_scoped3A : memref<!tpu.dma_semaphore, #tpu.memory_space<semaphore_mem>>)
      %dma_wait3A = arith.constant 0 : i32
      %dma_wait3A_47 = arith.constant 0 : i32
      %dma_wait3A_48 = tpu.memref_slice %arg4[%add3A, %dma_wait3A, %dma_wait3A_47] : memref<32x79x128xi32, #tpu.memory_space<hbm>> -> memref<1x79x128xi32, #tpu.memory_space<hbm>>
      %dma_wait3A_49 = tpu.memref_squeeze %dma_wait3A_48 : memref<1x79x128xi32, #tpu.memory_space<hbm>> -> memref<79x128xi32, #tpu.memory_space<hbm>>
      %dma_wait3A_50 = arith.constant 0 : i32
      %dma_wait3A_51 = arith.constant 0 : i32
      %dma_wait3A_52 = tpu.memref_slice %arg4[%add3A, %dma_wait3A_50, %dma_wait3A_51] : memref<32x79x128xi32, #tpu.memory_space<hbm>> -> memref<1x79x128xi32, #tpu.memory_space<hbm>>
      %dma_wait3A_53 = tpu.memref_squeeze %dma_wait3A_52 : memref<1x79x128xi32, #tpu.memory_space<hbm>> -> memref<79x128xi32, #tpu.memory_space<hbm>>
      tpu.wait_dma2 semaphore(%run_scoped3A : memref<!tpu.dma_semaphore, #tpu.memory_space<semaphore_mem>>) src(%dma_wait3A_53 : memref<79x128xi32, #tpu.memory_space<hbm>>) dst(%arg7 : memref<79x128xi32, #tpu.memory_space<vmem>>)
      tpu.yield
    }) : () -> ()
    %broadcast_in_dim3A = arith.constant 0.000000e+00 : f32
    %broadcast_in_dim3A_1 = vector.broadcast %broadcast_in_dim3A : f32 to vector<16xf32>
    %scan3A = arith.constant 0 : i32
    %scan3A_2 = arith.constant 0 : i32
    %scan3A_3 = arith.constant 128 : i32
    %scan3A_4 = arith.addi %scan3A_2, %scan3A_3 : i32
    %scan3A_5 = arith.constant 1 : i32
    %scan3A_6 = scf.for %scan3A_40 = %scan3A_2 to %scan3A_4 step %scan3A_5 iter_args(%scan3A_41 = %scan3A) -> (i32)  : i32 {
      %swap3A = arith.index_cast %scan3A_40 : i32 to index
      %swap3A_42 = arith.constant 0 : index
      %swap3A_43 = tpu.vector_load %arg8[%swap3A, %swap3A_42] {strides = array<i32>} : memref<128x128xf32, #tpu.memory_space<vmem>>, vector<16xf32>,
      tpu.vector_store %arg8[%swap3A, %swap3A_42], %broadcast_in_dim3A_1 {strides = array<i32>} : memref<128x128xf32, #tpu.memory_space<vmem>>, vector<16xf32>,
      %swap3A_44 = arith.index_cast %scan3A_40 : i32 to index
      %swap3A_45 = arith.constant 16 : index
      %swap3A_46 = tpu.vector_load %arg8[%swap3A_44, %swap3A_45] {strides = array<i32>} : memref<128x128xf32, #tpu.memory_space<vmem>>, vector<16xf32>,
      tpu.vector_store %arg8[%swap3A_44, %swap3A_45], %broadcast_in_dim3A_1 {strides = array<i32>} : memref<128x128xf32, #tpu.memory_space<vmem>>, vector<16xf32>,
      %swap3A_47 = arith.index_cast %scan3A_40 : i32 to index
      %swap3A_48 = arith.constant 32 : index
      %swap3A_49 = tpu.vector_load %arg8[%swap3A_47, %swap3A_48] {strides = array<i32>} : memref<128x128xf32, #tpu.memory_space<vmem>>, vector<16xf32>,
      tpu.vector_store %arg8[%swap3A_47, %swap3A_48], %broadcast_in_dim3A_1 {strides = array<i32>} : memref<128x128xf32, #tpu.memory_space<vmem>>, vector<16xf32>,
      %swap3A_50 = arith.index_cast %scan3A_40 : i32 to index
      %swap3A_51 = arith.constant 48 : index
      %swap3A_52 = tpu.vector_load %arg8[%swap3A_50, %swap3A_51] {strides = array<i32>} : memref<128x128xf32, #tpu.memory_space<vmem>>, vector<16xf32>,
      tpu.vector_store %arg8[%swap3A_50, %swap3A_51], %broadcast_in_dim3A_1 {strides = array<i32>} : memref<128x128xf32, #tpu.memory_space<vmem>>, vector<16xf32>,
      %swap3A_53 = arith.index_cast %scan3A_40 : i32 to index
      %swap3A_54 = arith.constant 64 : index
      %swap3A_55 = tpu.vector_load %arg8[%swap3A_53, %swap3A_54] {strides = array<i32>} : memref<128x128xf32, #tpu.memory_space<vmem>>, vector<16xf32>,
      tpu.vector_store %arg8[%swap3A_53, %swap3A_54], %broadcast_in_dim3A_1 {strides = array<i32>} : memref<128x128xf32, #tpu.memory_space<vmem>>, vector<16xf32>,
      %swap3A_56 = arith.index_cast %scan3A_40 : i32 to index
      %swap3A_57 = arith.constant 80 : index
      %swap3A_58 = tpu.vector_load %arg8[%swap3A_56, %swap3A_57] {strides = array<i32>} : memref<128x128xf32, #tpu.memory_space<vmem>>, vector<16xf32>,
      tpu.vector_store %arg8[%swap3A_56, %swap3A_57], %broadcast_in_dim3A_1 {strides = array<i32>} : memref<128x128xf32, #tpu.memory_space<vmem>>, vector<16xf32>,
      %swap3A_59 = arith.index_cast %scan3A_40 : i32 to index
      %swap3A_60 = arith.constant 96 : index
      %swap3A_61 = tpu.vector_load %arg8[%swap3A_59, %swap3A_60] {strides = array<i32>} : memref<128x128xf32, #tpu.memory_space<vmem>>, vector<16xf32>,
      tpu.vector_store %arg8[%swap3A_59, %swap3A_60], %broadcast_in_dim3A_1 {strides = array<i32>} : memref<128x128xf32, #tpu.memory_space<vmem>>, vector<16xf32>,
      %swap3A_62 = arith.index_cast %scan3A_40 : i32 to index
      %swap3A_63 = arith.constant 112 : index
      %swap3A_64 = tpu.vector_load %arg8[%swap3A_62, %swap3A_63] {strides = array<i32>} : memref<128x128xf32, #tpu.memory_space<vmem>>, vector<16xf32>,
      tpu.vector_store %arg8[%swap3A_62, %swap3A_63], %broadcast_in_dim3A_1 {strides = array<i32>} : memref<128x128xf32, #tpu.memory_space<vmem>>, vector<16xf32>,
      %scan3A_65 = arith.constant 0 : i32
      scf.yield %scan3A_65 : i32
    }
    %scan3A_7 = arith.constant 128 : i32
    %mul3A_8 = arith.constant 640 : i32
    %mul3A_9 = arith.muli %arg1, %mul3A_8 : i32
    %add3A_10 = arith.constant 0 : i32
    %add3A_11 = arith.addi %mul3A_9, %add3A_10 : i32
    "tpu.region"() ({
      %run_scoped3A = tpu.sem_alloc : memref<!tpu.dma_semaphore, #tpu.memory_space<semaphore_mem>>
      %dma_start3A = arith.constant 0 : i32
      %dma_start3A_40 = tpu.memref_slice %arg9[%add3A_11, %dma_start3A] : memref<10240x128xf32, #tpu.memory_space<vmem_shared>> -> memref<128x128xf32, #tpu.memory_space<vmem_shared>>
      %dma_start3A_41 = arith.constant 0 : i32
      %dma_start3A_42 = tpu.memref_slice %arg9[%add3A_11, %dma_start3A_41] : memref<10240x128xf32, #tpu.memory_space<vmem_shared>> -> memref<128x128xf32, #tpu.memory_space<vmem_shared>>
      tpu.enqueue_dma source(%arg8 : memref<128x128xf32, #tpu.memory_space<vmem>>) target(%dma_start3A_42 : memref<128x128xf32, #tpu.memory_space<vmem_shared>>) target_semaphore(%run_scoped3A : memref<!tpu.dma_semaphore, #tpu.memory_space<semaphore_mem>>)
      %dma_wait3A = arith.constant 0 : i32
      %dma_wait3A_43 = tpu.memref_slice %arg9[%add3A_11, %dma_wait3A] : memref<10240x128xf32, #tpu.memory_space<vmem_shared>> -> memref<128x128xf32, #tpu.memory_space<vmem_shared>>
      %dma_wait3A_44 = arith.constant 0 : i32
      %dma_wait3A_45 = tpu.memref_slice %arg9[%add3A_11, %dma_wait3A_44] : memref<10240x128xf32, #tpu.memory_space<vmem_shared>> -> memref<128x128xf32, #tpu.memory_space<vmem_shared>>
      tpu.wait_dma2 semaphore(%run_scoped3A : memref<!tpu.dma_semaphore, #tpu.memory_space<semaphore_mem>>) src(%arg8 : memref<128x128xf32, #tpu.memory_space<vmem>>) dst(%dma_wait3A_45 : memref<128x128xf32, #tpu.memory_space<vmem_shared>>)
      tpu.yield
    }) : () -> ()
    %mul3A_12 = arith.constant 640 : i32
    %mul3A_13 = arith.muli %arg1, %mul3A_12 : i32
    %add3A_14 = arith.constant 128 : i32
    %add3A_15 = arith.addi %mul3A_13, %add3A_14 : i32
    "tpu.region"() ({
      %run_scoped3A = tpu.sem_alloc : memref<!tpu.dma_semaphore, #tpu.memory_space<semaphore_mem>>
      %dma_start3A = arith.constant 0 : i32
      %dma_start3A_40 = tpu.memref_slice %arg9[%add3A_15, %dma_start3A] : memref<10240x128xf32, #tpu.memory_space<vmem_shared>> -> memref<128x128xf32, #tpu.memory_space<vmem_shared>>
      %dma_start3A_41 = arith.constant 0 : i32
      %dma_start3A_42 = tpu.memref_slice %arg9[%add3A_15, %dma_start3A_41] : memref<10240x128xf32, #tpu.memory_space<vmem_shared>> -> memref<128x128xf32, #tpu.memory_space<vmem_shared>>
      tpu.enqueue_dma source(%arg8 : memref<128x128xf32, #tpu.memory_space<vmem>>) target(%dma_start3A_42 : memref<128x128xf32, #tpu.memory_space<vmem_shared>>) target_semaphore(%run_scoped3A : memref<!tpu.dma_semaphore, #tpu.memory_space<semaphore_mem>>)
      %dma_wait3A = arith.constant 0 : i32
      %dma_wait3A_43 = tpu.memref_slice %arg9[%add3A_15, %dma_wait3A] : memref<10240x128xf32, #tpu.memory_space<vmem_shared>> -> memref<128x128xf32, #tpu.memory_space<vmem_shared>>
      %dma_wait3A_44 = arith.constant 0 : i32
      %dma_wait3A_45 = tpu.memref_slice %arg9[%add3A_15, %dma_wait3A_44] : memref<10240x128xf32, #tpu.memory_space<vmem_shared>> -> memref<128x128xf32, #tpu.memory_space<vmem_shared>>
      tpu.wait_dma2 semaphore(%run_scoped3A : memref<!tpu.dma_semaphore, #tpu.memory_space<semaphore_mem>>) src(%arg8 : memref<128x128xf32, #tpu.memory_space<vmem>>) dst(%dma_wait3A_45 : memref<128x128xf32, #tpu.memory_space<vmem_shared>>)
      tpu.yield
    }) : () -> ()
    %mul3A_16 = arith.constant 640 : i32
    %mul3A_17 = arith.muli %arg1, %mul3A_16 : i32
    %add3A_18 = arith.constant 256 : i32
    %add3A_19 = arith.addi %mul3A_17, %add3A_18 : i32
    "tpu.region"() ({
      %run_scoped3A = tpu.sem_alloc : memref<!tpu.dma_semaphore, #tpu.memory_space<semaphore_mem>>
      %dma_start3A = arith.constant 0 : i32
      %dma_start3A_40 = tpu.memref_slice %arg9[%add3A_19, %dma_start3A] : memref<10240x128xf32, #tpu.memory_space<vmem_shared>> -> memref<128x128xf32, #tpu.memory_space<vmem_shared>>
      %dma_start3A_41 = arith.constant 0 : i32
      %dma_start3A_42 = tpu.memref_slice %arg9[%add3A_19, %dma_start3A_41] : memref<10240x128xf32, #tpu.memory_space<vmem_shared>> -> memref<128x128xf32, #tpu.memory_space<vmem_shared>>
      tpu.enqueue_dma source(%arg8 : memref<128x128xf32, #tpu.memory_space<vmem>>) target(%dma_start3A_42 : memref<128x128xf32, #tpu.memory_space<vmem_shared>>) target_semaphore(%run_scoped3A : memref<!tpu.dma_semaphore, #tpu.memory_space<semaphore_mem>>)
      %dma_wait3A = arith.constant 0 : i32
      %dma_wait3A_43 = tpu.memref_slice %arg9[%add3A_19, %dma_wait3A] : memref<10240x128xf32, #tpu.memory_space<vmem_shared>> -> memref<128x128xf32, #tpu.memory_space<vmem_shared>>
      %dma_wait3A_44 = arith.constant 0 : i32
      %dma_wait3A_45 = tpu.memref_slice %arg9[%add3A_19, %dma_wait3A_44] : memref<10240x128xf32, #tpu.memory_space<vmem_shared>> -> memref<128x128xf32, #tpu.memory_space<vmem_shared>>
      tpu.wait_dma2 semaphore(%run_scoped3A : memref<!tpu.dma_semaphore, #tpu.memory_space<semaphore_mem>>) src(%arg8 : memref<128x128xf32, #tpu.memory_space<vmem>>) dst(%dma_wait3A_45 : memref<128x128xf32, #tpu.memory_space<vmem_shared>>)
      tpu.yield
    }) : () -> ()
    %mul3A_20 = arith.constant 640 : i32
    %mul3A_21 = arith.muli %arg1, %mul3A_20 : i32
    %add3A_22 = arith.constant 384 : i32
    %add3A_23 = arith.addi %mul3A_21, %add3A_22 : i32
    "tpu.region"() ({
      %run_scoped3A = tpu.sem_alloc : memref<!tpu.dma_semaphore, #tpu.memory_space<semaphore_mem>>
      %dma_start3A = arith.constant 0 : i32
      %dma_start3A_40 = tpu.memref_slice %arg9[%add3A_23, %dma_start3A] : memref<10240x128xf32, #tpu.memory_space<vmem_shared>> -> memref<128x128xf32, #tpu.memory_space<vmem_shared>>
      %dma_start3A_41 = arith.constant 0 : i32
      %dma_start3A_42 = tpu.memref_slice %arg9[%add3A_23, %dma_start3A_41] : memref<10240x128xf32, #tpu.memory_space<vmem_shared>> -> memref<128x128xf32, #tpu.memory_space<vmem_shared>>
      tpu.enqueue_dma source(%arg8 : memref<128x128xf32, #tpu.memory_space<vmem>>) target(%dma_start3A_42 : memref<128x128xf32, #tpu.memory_space<vmem_shared>>) target_semaphore(%run_scoped3A : memref<!tpu.dma_semaphore, #tpu.memory_space<semaphore_mem>>)
      %dma_wait3A = arith.constant 0 : i32
      %dma_wait3A_43 = tpu.memref_slice %arg9[%add3A_23, %dma_wait3A] : memref<10240x128xf32, #tpu.memory_space<vmem_shared>> -> memref<128x128xf32, #tpu.memory_space<vmem_shared>>
      %dma_wait3A_44 = arith.constant 0 : i32
      %dma_wait3A_45 = tpu.memref_slice %arg9[%add3A_23, %dma_wait3A_44] : memref<10240x128xf32, #tpu.memory_space<vmem_shared>> -> memref<128x128xf32, #tpu.memory_space<vmem_shared>>
      tpu.wait_dma2 semaphore(%run_scoped3A : memref<!tpu.dma_semaphore, #tpu.memory_space<semaphore_mem>>) src(%arg8 : memref<128x128xf32, #tpu.memory_space<vmem>>) dst(%dma_wait3A_45 : memref<128x128xf32, #tpu.memory_space<vmem_shared>>)
      tpu.yield
    }) : () -> ()
    %mul3A_24 = arith.constant 640 : i32
    %mul3A_25 = arith.muli %arg1, %mul3A_24 : i32
    %add3A_26 = arith.constant 512 : i32
    %add3A_27 = arith.addi %mul3A_25, %add3A_26 : i32
    "tpu.region"() ({
      %run_scoped3A = tpu.sem_alloc : memref<!tpu.dma_semaphore, #tpu.memory_space<semaphore_mem>>
      %dma_start3A = arith.constant 0 : i32
      %dma_start3A_40 = tpu.memref_slice %arg9[%add3A_27, %dma_start3A] : memref<10240x128xf32, #tpu.memory_space<vmem_shared>> -> memref<128x128xf32, #tpu.memory_space<vmem_shared>>
      %dma_start3A_41 = arith.constant 0 : i32
      %dma_start3A_42 = tpu.memref_slice %arg9[%add3A_27, %dma_start3A_41] : memref<10240x128xf32, #tpu.memory_space<vmem_shared>> -> memref<128x128xf32, #tpu.memory_space<vmem_shared>>
      tpu.enqueue_dma source(%arg8 : memref<128x128xf32, #tpu.memory_space<vmem>>) target(%dma_start3A_42 : memref<128x128xf32, #tpu.memory_space<vmem_shared>>) target_semaphore(%run_scoped3A : memref<!tpu.dma_semaphore, #tpu.memory_space<semaphore_mem>>)
      %dma_wait3A = arith.constant 0 : i32
      %dma_wait3A_43 = tpu.memref_slice %arg9[%add3A_27, %dma_wait3A] : memref<10240x128xf32, #tpu.memory_space<vmem_shared>> -> memref<128x128xf32, #tpu.memory_space<vmem_shared>>
      %dma_wait3A_44 = arith.constant 0 : i32
      %dma_wait3A_45 = tpu.memref_slice %arg9[%add3A_27, %dma_wait3A_44] : memref<10240x128xf32, #tpu.memory_space<vmem_shared>> -> memref<128x128xf32, #tpu.memory_space<vmem_shared>>
      tpu.wait_dma2 semaphore(%run_scoped3A : memref<!tpu.dma_semaphore, #tpu.memory_space<semaphore_mem>>) src(%arg8 : memref<128x128xf32, #tpu.memory_space<vmem>>) dst(%dma_wait3A_45 : memref<128x128xf32, #tpu.memory_space<vmem_shared>>)
      tpu.yield
    }) : () -> ()
    %barrier3A = arith.constant 0 : index
    tpu.barrier barrier_id(%barrier3A)
    %scan3A_28 = arith.constant 0 : i32
    %scan3A_29 = arith.constant 0 : i32
    %scan3A_30 = arith.constant 79 : i32
    %scan3A_31 = arith.addi %scan3A_29, %scan3A_30 : i32
    %scan3A_32 = arith.constant 1 : i32
    %scan3A_33 = scf.for %scan3A_40 = %scan3A_29 to %scan3A_31 step %scan3A_32 iter_args(%scan3A_41 = %scan3A_28) -> (i32)  : i32 {
      "tpu.region"() ({
        %run_scoped3A = tpu.sem_alloc : memref<!tpu.dma_semaphore, #tpu.memory_space<semaphore_mem>>
        %dma_start3A = arith.constant 0 : i32
        %dma_start3A_43 = tpu.memref_slice %arg6[%scan3A_40, %dma_start3A] : memref<79x128xi32, #tpu.memory_space<vmem>> -> memref<1x128xi32, #tpu.memory_space<vmem>>
        %dma_start3A_44 = tpu.memref_squeeze %dma_start3A_43 : memref<1x128xi32, #tpu.memory_space<vmem>> -> memref<128xi32, #tpu.memory_space<vmem>>
        %dma_start3A_45 = arith.constant 0 : i32
        %dma_start3A_46 = arith.constant 0 : i32
        %dma_start3A_47 = tpu.memref_slice %arg2[%dma_start3A_45, %dma_start3A_46] : memref<10240x128xf32, #tpu.memory_space<hbm>> -> memref<10240x128xf32, #tpu.memory_space<hbm>>
        tpu.enqueue_indirect_dma source(%dma_start3A_47 : memref<10240x128xf32, #tpu.memory_space<hbm>>) target(%arg8 : memref<128x128xf32, #tpu.memory_space<vmem>>) offsets(%dma_start3A_44 : memref<128xi32, #tpu.memory_space<vmem>>) semaphore(%run_scoped3A : memref<!tpu.dma_semaphore, #tpu.memory_space<semaphore_mem>>)
        %dma_wait3A = arith.constant 0 : i32
        %dma_wait3A_48 = tpu.memref_slice %arg6[%scan3A_40, %dma_wait3A] : memref<79x128xi32, #tpu.memory_space<vmem>> -> memref<1x128xi32, #tpu.memory_space<vmem>>
        %dma_wait3A_49 = tpu.memref_squeeze %dma_wait3A_48 : memref<1x128xi32, #tpu.memory_space<vmem>> -> memref<128xi32, #tpu.memory_space<vmem>>
        %dma_wait3A_50 = arith.constant 0 : i32
        %dma_wait3A_51 = arith.constant 0 : i32
        %dma_wait3A_52 = tpu.memref_slice %arg2[%dma_wait3A_50, %dma_wait3A_51] : memref<10240x128xf32, #tpu.memory_space<hbm>> -> memref<10240x128xf32, #tpu.memory_space<hbm>>
        tpu.wait_indirect_dma semaphore(%run_scoped3A : memref<!tpu.dma_semaphore, #tpu.memory_space<semaphore_mem>>) src(%dma_wait3A_52 : memref<10240x128xf32, #tpu.memory_space<hbm>>) dst(%arg8 : memref<128x128xf32, #tpu.memory_space<vmem>>)
        tpu.yield
      }) : () -> ()
      "tpu.region"() ({
        %run_scoped3A = tpu.sem_alloc : memref<!tpu.dma_semaphore, #tpu.memory_space<semaphore_mem>>
        %dma_start3A = arith.constant 0 : i32
        %dma_start3A_43 = tpu.memref_slice %arg7[%scan3A_40, %dma_start3A] : memref<79x128xi32, #tpu.memory_space<vmem>> -> memref<1x128xi32, #tpu.memory_space<vmem>>
        %dma_start3A_44 = tpu.memref_squeeze %dma_start3A_43 : memref<1x128xi32, #tpu.memory_space<vmem>> -> memref<128xi32, #tpu.memory_space<vmem>>
        %dma_start3A_45 = arith.constant 0 : i32
        %dma_start3A_46 = arith.constant 0 : i32
        %dma_start3A_47 = tpu.memref_slice %arg9[%dma_start3A_45, %dma_start3A_46] : memref<10240x128xf32, #tpu.memory_space<vmem_shared>> -> memref<10240x128xf32, #tpu.memory_space<vmem_shared>>
        tpu.enqueue_indirect_dma source(%arg8 : memref<128x128xf32, #tpu.memory_space<vmem>>) target(%dma_start3A_47 : memref<10240x128xf32, #tpu.memory_space<vmem_shared>>) offsets(%dma_start3A_44 : memref<128xi32, #tpu.memory_space<vmem>>) semaphore(%run_scoped3A : memref<!tpu.dma_semaphore, #tpu.memory_space<semaphore_mem>>) {add = true}
        %dma_wait3A = arith.constant 0 : i32
        %dma_wait3A_48 = tpu.memref_slice %arg7[%scan3A_40, %dma_wait3A] : memref<79x128xi32, #tpu.memory_space<vmem>> -> memref<1x128xi32, #tpu.memory_space<vmem>>
        %dma_wait3A_49 = tpu.memref_squeeze %dma_wait3A_48 : memref<1x128xi32, #tpu.memory_space<vmem>> -> memref<128xi32, #tpu.memory_space<vmem>>
        %dma_wait3A_50 = arith.constant 0 : i32
        %dma_wait3A_51 = arith.constant 0 : i32
        %dma_wait3A_52 = tpu.memref_slice %arg9[%dma_wait3A_50, %dma_wait3A_51] : memref<10240x128xf32, #tpu.memory_space<vmem_shared>> -> memref<10240x128xf32, #tpu.memory_space<vmem_shared>>
        tpu.wait_indirect_dma semaphore(%run_scoped3A : memref<!tpu.dma_semaphore, #tpu.memory_space<semaphore_mem>>) src(%arg8 : memref<128x128xf32, #tpu.memory_space<vmem>>) dst(%dma_wait3A_52 : memref<10240x128xf32, #tpu.memory_space<vmem_shared>>)
        tpu.yield
      }) : () -> ()
      %scan3A_42 = arith.constant 0 : i32
      scf.yield %scan3A_42 : i32
    }
    %scan3A_34 = arith.constant 79 : i32
    %barrier3A_35 = arith.constant 0 : index
    tpu.barrier barrier_id(%barrier3A_35)
    %mul3A_36 = arith.constant 640 : i32
    %mul3A_37 = arith.muli %arg1, %mul3A_36 : i32
    %mul3A_38 = arith.constant 640 : i32
    %mul3A_39 = arith.muli %arg1, %mul3A_38 : i32
    "tpu.region"() ({
      %run_scoped3A = tpu.sem_alloc : memref<!tpu.dma_semaphore, #tpu.memory_space<semaphore_mem>>
      %dma_start3A = arith.constant 0 : i32
      %dma_start3A_40 = tpu.memref_slice %arg5[%arg0, %mul3A_39, %dma_start3A] : memref<2x10240x128xf32, #tpu.memory_space<hbm>> -> memref<1x640x128xf32, #tpu.memory_space<hbm>>
      %dma_start3A_41 = tpu.memref_squeeze %dma_start3A_40 : memref<1x640x128xf32, #tpu.memory_space<hbm>> -> memref<640x128xf32, #tpu.memory_space<hbm>>
      %dma_start3A_42 = arith.constant 0 : i32
      %dma_start3A_43 = tpu.memref_slice %arg9[%mul3A_37, %dma_start3A_42] : memref<10240x128xf32, #tpu.memory_space<vmem_shared>> -> memref<640x128xf32, #tpu.memory_space<vmem_shared>>
      tpu.enqueue_dma source(%dma_start3A_43 : memref<640x128xf32, #tpu.memory_space<vmem_shared>>) target(%dma_start3A_41 : memref<640x128xf32, #tpu.memory_space<hbm>>) target_semaphore(%run_scoped3A : memref<!tpu.dma_semaphore, #tpu.memory_space<semaphore_mem>>)
      %dma_wait3A = arith.constant 0 : i32
      %dma_wait3A_44 = tpu.memref_slice %arg5[%arg0, %mul3A_39, %dma_wait3A] : memref<2x10240x128xf32, #tpu.memory_space<hbm>> -> memref<1x640x128xf32, #tpu.memory_space<hbm>>
      %dma_wait3A_45 = tpu.memref_squeeze %dma_wait3A_44 : memref<1x640x128xf32, #tpu.memory_space<hbm>> -> memref<640x128xf32, #tpu.memory_space<hbm>>
      %dma_wait3A_46 = arith.constant 0 : i32
      %dma_wait3A_47 = tpu.memref_slice %arg9[%mul3A_37, %dma_wait3A_46] : memref<10240x128xf32, #tpu.memory_space<vmem_shared>> -> memref<640x128xf32, #tpu.memory_space<vmem_shared>>
      tpu.wait_dma2 semaphore(%run_scoped3A : memref<!tpu.dma_semaphore, #tpu.memory_space<semaphore_mem>>) src(%dma_wait3A_47 : memref<640x128xf32, #tpu.memory_space<vmem_shared>>) dst(%dma_wait3A_45 : memref<640x128xf32, #tpu.memory_space<hbm>>)
      tpu.yield
    }) : () -> ()
    return
  }
}

#map = affine_map<(d0, d1) -> (0, 0, 0)>
#map1 = affine_map<(d0, d1) -> (0, 0)>
module attributes {stable_mosaic.version = 14 : i64} {
  func.func @_deg_kernel(%arg0: i32, %arg1: i32, %arg2: memref<32x79x128xi32, #tpu.memory_space<hbm>>, %arg3: memref<32x10240xf32, #tpu.memory_space<hbm>>, %arg4: memref<79x128xi32, #tpu.memory_space<vmem>>, %arg5: memref<10240xf32, #tpu.memory_space<vmem>>) attributes {dimension_semantics = [#tpu.dimension_semantics<core_parallel>, #tpu.dimension_semantics<subcore_parallel>], iteration_bounds = array<i64: 2, 16>, scalar_prefetch = 0 : i64, scratch_operands = 2 : i64, tpu.core_type = #tpu.core_type<sc_vector_subcore>, window_params = [{transform_indices = #map}, {transform_indices = #map1}]} {
    %mul3A = arith.constant 2 : i32
    %mul3A_0 = arith.muli %arg1, %mul3A : i32
    %add3A = arith.addi %mul3A_0, %arg0 : i32
    "tpu.region"() ({
      %run_scoped3A = tpu.sem_alloc : memref<!tpu.dma_semaphore, #tpu.memory_space<semaphore_mem>>
      %dma_start3A = arith.constant 0 : i32
      %dma_start3A_17 = arith.constant 0 : i32
      %dma_start3A_18 = tpu.memref_slice %arg2[%add3A, %dma_start3A, %dma_start3A_17] : memref<32x79x128xi32, #tpu.memory_space<hbm>> -> memref<1x79x128xi32, #tpu.memory_space<hbm>>
      %dma_start3A_19 = tpu.memref_squeeze %dma_start3A_18 : memref<1x79x128xi32, #tpu.memory_space<hbm>> -> memref<79x128xi32, #tpu.memory_space<hbm>>
      %dma_start3A_20 = arith.constant 0 : i32
      %dma_start3A_21 = arith.constant 0 : i32
      %dma_start3A_22 = tpu.memref_slice %arg2[%add3A, %dma_start3A_20, %dma_start3A_21] : memref<32x79x128xi32, #tpu.memory_space<hbm>> -> memref<1x79x128xi32, #tpu.memory_space<hbm>>
      %dma_start3A_23 = tpu.memref_squeeze %dma_start3A_22 : memref<1x79x128xi32, #tpu.memory_space<hbm>> -> memref<79x128xi32, #tpu.memory_space<hbm>>
      tpu.enqueue_dma source(%dma_start3A_23 : memref<79x128xi32, #tpu.memory_space<hbm>>) target(%arg4 : memref<79x128xi32, #tpu.memory_space<vmem>>) target_semaphore(%run_scoped3A : memref<!tpu.dma_semaphore, #tpu.memory_space<semaphore_mem>>)
      %dma_wait3A = arith.constant 0 : i32
      %dma_wait3A_24 = arith.constant 0 : i32
      %dma_wait3A_25 = tpu.memref_slice %arg2[%add3A, %dma_wait3A, %dma_wait3A_24] : memref<32x79x128xi32, #tpu.memory_space<hbm>> -> memref<1x79x128xi32, #tpu.memory_space<hbm>>
      %dma_wait3A_26 = tpu.memref_squeeze %dma_wait3A_25 : memref<1x79x128xi32, #tpu.memory_space<hbm>> -> memref<79x128xi32, #tpu.memory_space<hbm>>
      %dma_wait3A_27 = arith.constant 0 : i32
      %dma_wait3A_28 = arith.constant 0 : i32
      %dma_wait3A_29 = tpu.memref_slice %arg2[%add3A, %dma_wait3A_27, %dma_wait3A_28] : memref<32x79x128xi32, #tpu.memory_space<hbm>> -> memref<1x79x128xi32, #tpu.memory_space<hbm>>
      %dma_wait3A_30 = tpu.memref_squeeze %dma_wait3A_29 : memref<1x79x128xi32, #tpu.memory_space<hbm>> -> memref<79x128xi32, #tpu.memory_space<hbm>>
      tpu.wait_dma2 semaphore(%run_scoped3A : memref<!tpu.dma_semaphore, #tpu.memory_space<semaphore_mem>>) src(%dma_wait3A_30 : memref<79x128xi32, #tpu.memory_space<hbm>>) dst(%arg4 : memref<79x128xi32, #tpu.memory_space<vmem>>)
      tpu.yield
    }) : () -> ()
    %broadcast_in_dim3A = arith.constant 0.000000e+00 : f32
    %broadcast_in_dim3A_1 = vector.broadcast %broadcast_in_dim3A : f32 to vector<16xf32>
    %scan3A = arith.constant 0 : i32
    %scan3A_2 = arith.constant 0 : i32
    %scan3A_3 = arith.constant 640 : i32
    %scan3A_4 = arith.addi %scan3A_2, %scan3A_3 : i32
    %scan3A_5 = arith.constant 1 : i32
    %scan3A_6 = scf.for %scan3A_17 = %scan3A_2 to %scan3A_4 step %scan3A_5 iter_args(%scan3A_18 = %scan3A) -> (i32)  : i32 {
      %mul3A_19 = arith.constant 16 : i32
      %mul3A_20 = arith.muli %scan3A_17, %mul3A_19 : i32
      %swap3A = arith.index_cast %mul3A_20 : i32 to index
      %swap3A_21 = tpu.vector_load %arg5[%swap3A] {strides = array<i32>} : memref<10240xf32, #tpu.memory_space<vmem>>, vector<16xf32>,
      tpu.vector_store %arg5[%swap3A], %broadcast_in_dim3A_1 {strides = array<i32>} : memref<10240xf32, #tpu.memory_space<vmem>>, vector<16xf32>,
      %scan3A_22 = arith.constant 0 : i32
      scf.yield %scan3A_22 : i32
    }
    %scan3A_7 = arith.constant 640 : i32
    %broadcast_in_dim3A_8 = arith.constant 1.000000e+00 : f32
    %broadcast_in_dim3A_9 = vector.broadcast %broadcast_in_dim3A_8 : f32 to vector<16xf32>
    %scan3A_10 = arith.constant 0 : i32
    %scan3A_11 = arith.constant 0 : i32
    %scan3A_12 = arith.constant 79 : i32
    %scan3A_13 = arith.addi %scan3A_11, %scan3A_12 : i32
    %scan3A_14 = arith.constant 1 : i32
    %scan3A_15 = scf.for %scan3A_17 = %scan3A_11 to %scan3A_13 step %scan3A_14 iter_args(%scan3A_18 = %scan3A_10) -> (i32)  : i32 {
      %get3A = arith.index_cast %scan3A_17 : i32 to index
      %get3A_19 = arith.constant 0 : index
      %get3A_20 = tpu.vector_load %arg4[%get3A, %get3A_19] {strides = array<i32>} : memref<79x128xi32, #tpu.memory_space<vmem>>, vector<16xi32>,
      tpu.vector_store_idx %arg5[%get3A_20], %broadcast_in_dim3A_9 {add = true} : memref<10240xf32, #tpu.memory_space<vmem>>[vector<16xi32>], vector<16xf32>,
      %get3A_21 = arith.index_cast %scan3A_17 : i32 to index
      %get3A_22 = arith.constant 16 : index
      %get3A_23 = tpu.vector_load %arg4[%get3A_21, %get3A_22] {strides = array<i32>} : memref<79x128xi32, #tpu.memory_space<vmem>>, vector<16xi32>,
      tpu.vector_store_idx %arg5[%get3A_23], %broadcast_in_dim3A_9 {add = true} : memref<10240xf32, #tpu.memory_space<vmem>>[vector<16xi32>], vector<16xf32>,
      %get3A_24 = arith.index_cast %scan3A_17 : i32 to index
      %get3A_25 = arith.constant 32 : index
      %get3A_26 = tpu.vector_load %arg4[%get3A_24, %get3A_25] {strides = array<i32>} : memref<79x128xi32, #tpu.memory_space<vmem>>, vector<16xi32>,
      tpu.vector_store_idx %arg5[%get3A_26], %broadcast_in_dim3A_9 {add = true} : memref<10240xf32, #tpu.memory_space<vmem>>[vector<16xi32>], vector<16xf32>,
      %get3A_27 = arith.index_cast %scan3A_17 : i32 to index
      %get3A_28 = arith.constant 48 : index
      %get3A_29 = tpu.vector_load %arg4[%get3A_27, %get3A_28] {strides = array<i32>} : memref<79x128xi32, #tpu.memory_space<vmem>>, vector<16xi32>,
      tpu.vector_store_idx %arg5[%get3A_29], %broadcast_in_dim3A_9 {add = true} : memref<10240xf32, #tpu.memory_space<vmem>>[vector<16xi32>], vector<16xf32>,
      %get3A_30 = arith.index_cast %scan3A_17 : i32 to index
      %get3A_31 = arith.constant 64 : index
      %get3A_32 = tpu.vector_load %arg4[%get3A_30, %get3A_31] {strides = array<i32>} : memref<79x128xi32, #tpu.memory_space<vmem>>, vector<16xi32>,
      tpu.vector_store_idx %arg5[%get3A_32], %broadcast_in_dim3A_9 {add = true} : memref<10240xf32, #tpu.memory_space<vmem>>[vector<16xi32>], vector<16xf32>,
      %get3A_33 = arith.index_cast %scan3A_17 : i32 to index
      %get3A_34 = arith.constant 80 : index
      %get3A_35 = tpu.vector_load %arg4[%get3A_33, %get3A_34] {strides = array<i32>} : memref<79x128xi32, #tpu.memory_space<vmem>>, vector<16xi32>,
      tpu.vector_store_idx %arg5[%get3A_35], %broadcast_in_dim3A_9 {add = true} : memref<10240xf32, #tpu.memory_space<vmem>>[vector<16xi32>], vector<16xf32>,
      %get3A_36 = arith.index_cast %scan3A_17 : i32 to index
      %get3A_37 = arith.constant 96 : index
      %get3A_38 = tpu.vector_load %arg4[%get3A_36, %get3A_37] {strides = array<i32>} : memref<79x128xi32, #tpu.memory_space<vmem>>, vector<16xi32>,
      tpu.vector_store_idx %arg5[%get3A_38], %broadcast_in_dim3A_9 {add = true} : memref<10240xf32, #tpu.memory_space<vmem>>[vector<16xi32>], vector<16xf32>,
      %get3A_39 = arith.index_cast %scan3A_17 : i32 to index
      %get3A_40 = arith.constant 112 : index
      %get3A_41 = tpu.vector_load %arg4[%get3A_39, %get3A_40] {strides = array<i32>} : memref<79x128xi32, #tpu.memory_space<vmem>>, vector<16xi32>,
      tpu.vector_store_idx %arg5[%get3A_41], %broadcast_in_dim3A_9 {add = true} : memref<10240xf32, #tpu.memory_space<vmem>>[vector<16xi32>], vector<16xf32>,
      %scan3A_42 = arith.constant 0 : i32
      scf.yield %scan3A_42 : i32
    }
    %scan3A_16 = arith.constant 79 : i32
    "tpu.region"() ({
      %run_scoped3A = tpu.sem_alloc : memref<!tpu.dma_semaphore, #tpu.memory_space<semaphore_mem>>
      %dma_start3A = arith.constant 0 : i32
      %dma_start3A_17 = tpu.memref_slice %arg3[%add3A, %dma_start3A] : memref<32x10240xf32, #tpu.memory_space<hbm>> -> memref<1x10240xf32, #tpu.memory_space<hbm>>
      %dma_start3A_18 = tpu.memref_squeeze %dma_start3A_17 : memref<1x10240xf32, #tpu.memory_space<hbm>> -> memref<10240xf32, #tpu.memory_space<hbm>>
      %dma_start3A_19 = arith.constant 0 : i32
      %dma_start3A_20 = tpu.memref_slice %arg3[%add3A, %dma_start3A_19] : memref<32x10240xf32, #tpu.memory_space<hbm>> -> memref<1x10240xf32, #tpu.memory_space<hbm>>
      %dma_start3A_21 = tpu.memref_squeeze %dma_start3A_20 : memref<1x10240xf32, #tpu.memory_space<hbm>> -> memref<10240xf32, #tpu.memory_space<hbm>>
      tpu.enqueue_dma source(%arg5 : memref<10240xf32, #tpu.memory_space<vmem>>) target(%dma_start3A_21 : memref<10240xf32, #tpu.memory_space<hbm>>) target_semaphore(%run_scoped3A : memref<!tpu.dma_semaphore, #tpu.memory_space<semaphore_mem>>)
      %dma_wait3A = arith.constant 0 : i32
      %dma_wait3A_22 = tpu.memref_slice %arg3[%add3A, %dma_wait3A] : memref<32x10240xf32, #tpu.memory_space<hbm>> -> memref<1x10240xf32, #tpu.memory_space<hbm>>
      %dma_wait3A_23 = tpu.memref_squeeze %dma_wait3A_22 : memref<1x10240xf32, #tpu.memory_space<hbm>> -> memref<10240xf32, #tpu.memory_space<hbm>>
      %dma_wait3A_24 = arith.constant 0 : i32
      %dma_wait3A_25 = tpu.memref_slice %arg3[%add3A, %dma_wait3A_24] : memref<32x10240xf32, #tpu.memory_space<hbm>> -> memref<1x10240xf32, #tpu.memory_space<hbm>>
      %dma_wait3A_26 = tpu.memref_squeeze %dma_wait3A_25 : memref<1x10240xf32, #tpu.memory_space<hbm>> -> memref<10240xf32, #tpu.memory_space<hbm>>
      tpu.wait_dma2 semaphore(%run_scoped3A : memref<!tpu.dma_semaphore, #tpu.memory_space<semaphore_mem>>) src(%arg5 : memref<10240xf32, #tpu.memory_space<vmem>>) dst(%dma_wait3A_26 : memref<10240xf32, #tpu.memory_space<hbm>>)
      tpu.yield
    }) : () -> ()
    return
  }
}

#map = affine_map<(d0, d1) -> (0, 0)>
#map1 = affine_map<(d0, d1) -> (0, 0, 0)>
module attributes {stable_mosaic.version = 14 : i64} {
  func.func @agg_kernel(%arg0: i32, %arg1: i32, %arg2: memref<10240x128xf32, #tpu.memory_space<hbm>>, %arg3: memref<32x79x128xi32, #tpu.memory_space<hbm>>, %arg4: memref<32x79x128xi32, #tpu.memory_space<hbm>>, %arg5: memref<2x10240x128xf32, #tpu.memory_space<hbm>>, %arg6: memref<79x128xi32, #tpu.memory_space<vmem>>, %arg7: memref<79x128xi32, #tpu.memory_space<vmem>>, %arg8: memref<128x128xf32, #tpu.memory_space<vmem>>, %arg9: memref<10240x128xf32, #tpu.memory_space<vmem_shared>>) attributes {dimension_semantics = [#tpu.dimension_semantics<core_parallel>, #tpu.dimension_semantics<subcore_parallel>], iteration_bounds = array<i64: 2, 16>, scalar_prefetch = 0 : i64, scratch_operands = 4 : i64, tpu.core_type = #tpu.core_type<sc_vector_subcore>, window_params = [{transform_indices = #map}, {transform_indices = #map1}, {transform_indices = #map1}, {transform_indices = #map1}]} {
    %mul3A = arith.constant 2 : i32
    %mul3A_0 = arith.muli %arg1, %mul3A : i32
    %add3A = arith.addi %mul3A_0, %arg0 : i32
    "tpu.region"() ({
      %run_scoped3A = tpu.sem_alloc : memref<!tpu.dma_semaphore, #tpu.memory_space<semaphore_mem>>
      %dma_start3A = arith.constant 0 : i32
      %dma_start3A_40 = arith.constant 0 : i32
      %dma_start3A_41 = tpu.memref_slice %arg3[%add3A, %dma_start3A, %dma_start3A_40] : memref<32x79x128xi32, #tpu.memory_space<hbm>> -> memref<1x79x128xi32, #tpu.memory_space<hbm>>
      %dma_start3A_42 = tpu.memref_squeeze %dma_start3A_41 : memref<1x79x128xi32, #tpu.memory_space<hbm>> -> memref<79x128xi32, #tpu.memory_space<hbm>>
      %dma_start3A_43 = arith.constant 0 : i32
      %dma_start3A_44 = arith.constant 0 : i32
      %dma_start3A_45 = tpu.memref_slice %arg3[%add3A, %dma_start3A_43, %dma_start3A_44] : memref<32x79x128xi32, #tpu.memory_space<hbm>> -> memref<1x79x128xi32, #tpu.memory_space<hbm>>
      %dma_start3A_46 = tpu.memref_squeeze %dma_start3A_45 : memref<1x79x128xi32, #tpu.memory_space<hbm>> -> memref<79x128xi32, #tpu.memory_space<hbm>>
      tpu.enqueue_dma source(%dma_start3A_46 : memref<79x128xi32, #tpu.memory_space<hbm>>) target(%arg6 : memref<79x128xi32, #tpu.memory_space<vmem>>) target_semaphore(%run_scoped3A : memref<!tpu.dma_semaphore, #tpu.memory_space<semaphore_mem>>)
      %dma_wait3A = arith.constant 0 : i32
      %dma_wait3A_47 = arith.constant 0 : i32
      %dma_wait3A_48 = tpu.memref_slice %arg3[%add3A, %dma_wait3A, %dma_wait3A_47] : memref<32x79x128xi32, #tpu.memory_space<hbm>> -> memref<1x79x128xi32, #tpu.memory_space<hbm>>
      %dma_wait3A_49 = tpu.memref_squeeze %dma_wait3A_48 : memref<1x79x128xi32, #tpu.memory_space<hbm>> -> memref<79x128xi32, #tpu.memory_space<hbm>>
      %dma_wait3A_50 = arith.constant 0 : i32
      %dma_wait3A_51 = arith.constant 0 : i32
      %dma_wait3A_52 = tpu.memref_slice %arg3[%add3A, %dma_wait3A_50, %dma_wait3A_51] : memref<32x79x128xi32, #tpu.memory_space<hbm>> -> memref<1x79x128xi32, #tpu.memory_space<hbm>>
      %dma_wait3A_53 = tpu.memref_squeeze %dma_wait3A_52 : memref<1x79x128xi32, #tpu.memory_space<hbm>> -> memref<79x128xi32, #tpu.memory_space<hbm>>
      tpu.wait_dma2 semaphore(%run_scoped3A : memref<!tpu.dma_semaphore, #tpu.memory_space<semaphore_mem>>) src(%dma_wait3A_53 : memref<79x128xi32, #tpu.memory_space<hbm>>) dst(%arg6 : memref<79x128xi32, #tpu.memory_space<vmem>>)
      tpu.yield
    }) : () -> ()
    "tpu.region"() ({
      %run_scoped3A = tpu.sem_alloc : memref<!tpu.dma_semaphore, #tpu.memory_space<semaphore_mem>>
      %dma_start3A = arith.constant 0 : i32
      %dma_start3A_40 = arith.constant 0 : i32
      %dma_start3A_41 = tpu.memref_slice %arg4[%add3A, %dma_start3A, %dma_start3A_40] : memref<32x79x128xi32, #tpu.memory_space<hbm>> -> memref<1x79x128xi32, #tpu.memory_space<hbm>>
      %dma_start3A_42 = tpu.memref_squeeze %dma_start3A_41 : memref<1x79x128xi32, #tpu.memory_space<hbm>> -> memref<79x128xi32, #tpu.memory_space<hbm>>
      %dma_start3A_43 = arith.constant 0 : i32
      %dma_start3A_44 = arith.constant 0 : i32
      %dma_start3A_45 = tpu.memref_slice %arg4[%add3A, %dma_start3A_43, %dma_start3A_44] : memref<32x79x128xi32, #tpu.memory_space<hbm>> -> memref<1x79x128xi32, #tpu.memory_space<hbm>>
      %dma_start3A_46 = tpu.memref_squeeze %dma_start3A_45 : memref<1x79x128xi32, #tpu.memory_space<hbm>> -> memref<79x128xi32, #tpu.memory_space<hbm>>
      tpu.enqueue_dma source(%dma_start3A_46 : memref<79x128xi32, #tpu.memory_space<hbm>>) target(%arg7 : memref<79x128xi32, #tpu.memory_space<vmem>>) target_semaphore(%run_scoped3A : memref<!tpu.dma_semaphore, #tpu.memory_space<semaphore_mem>>)
      %dma_wait3A = arith.constant 0 : i32
      %dma_wait3A_47 = arith.constant 0 : i32
      %dma_wait3A_48 = tpu.memref_slice %arg4[%add3A, %dma_wait3A, %dma_wait3A_47] : memref<32x79x128xi32, #tpu.memory_space<hbm>> -> memref<1x79x128xi32, #tpu.memory_space<hbm>>
      %dma_wait3A_49 = tpu.memref_squeeze %dma_wait3A_48 : memref<1x79x128xi32, #tpu.memory_space<hbm>> -> memref<79x128xi32, #tpu.memory_space<hbm>>
      %dma_wait3A_50 = arith.constant 0 : i32
      %dma_wait3A_51 = arith.constant 0 : i32
      %dma_wait3A_52 = tpu.memref_slice %arg4[%add3A, %dma_wait3A_50, %dma_wait3A_51] : memref<32x79x128xi32, #tpu.memory_space<hbm>> -> memref<1x79x128xi32, #tpu.memory_space<hbm>>
      %dma_wait3A_53 = tpu.memref_squeeze %dma_wait3A_52 : memref<1x79x128xi32, #tpu.memory_space<hbm>> -> memref<79x128xi32, #tpu.memory_space<hbm>>
      tpu.wait_dma2 semaphore(%run_scoped3A : memref<!tpu.dma_semaphore, #tpu.memory_space<semaphore_mem>>) src(%dma_wait3A_53 : memref<79x128xi32, #tpu.memory_space<hbm>>) dst(%arg7 : memref<79x128xi32, #tpu.memory_space<vmem>>)
      tpu.yield
    }) : () -> ()
    %broadcast_in_dim3A = arith.constant 0.000000e+00 : f32
    %broadcast_in_dim3A_1 = vector.broadcast %broadcast_in_dim3A : f32 to vector<16xf32>
    %scan3A = arith.constant 0 : i32
    %scan3A_2 = arith.constant 0 : i32
    %scan3A_3 = arith.constant 128 : i32
    %scan3A_4 = arith.addi %scan3A_2, %scan3A_3 : i32
    %scan3A_5 = arith.constant 1 : i32
    %scan3A_6 = scf.for %scan3A_40 = %scan3A_2 to %scan3A_4 step %scan3A_5 iter_args(%scan3A_41 = %scan3A) -> (i32)  : i32 {
      %swap3A = arith.index_cast %scan3A_40 : i32 to index
      %swap3A_42 = arith.constant 0 : index
      %swap3A_43 = tpu.vector_load %arg8[%swap3A, %swap3A_42] {strides = array<i32>} : memref<128x128xf32, #tpu.memory_space<vmem>>, vector<16xf32>,
      tpu.vector_store %arg8[%swap3A, %swap3A_42], %broadcast_in_dim3A_1 {strides = array<i32>} : memref<128x128xf32, #tpu.memory_space<vmem>>, vector<16xf32>,
      %swap3A_44 = arith.index_cast %scan3A_40 : i32 to index
      %swap3A_45 = arith.constant 16 : index
      %swap3A_46 = tpu.vector_load %arg8[%swap3A_44, %swap3A_45] {strides = array<i32>} : memref<128x128xf32, #tpu.memory_space<vmem>>, vector<16xf32>,
      tpu.vector_store %arg8[%swap3A_44, %swap3A_45], %broadcast_in_dim3A_1 {strides = array<i32>} : memref<128x128xf32, #tpu.memory_space<vmem>>, vector<16xf32>,
      %swap3A_47 = arith.index_cast %scan3A_40 : i32 to index
      %swap3A_48 = arith.constant 32 : index
      %swap3A_49 = tpu.vector_load %arg8[%swap3A_47, %swap3A_48] {strides = array<i32>} : memref<128x128xf32, #tpu.memory_space<vmem>>, vector<16xf32>,
      tpu.vector_store %arg8[%swap3A_47, %swap3A_48], %broadcast_in_dim3A_1 {strides = array<i32>} : memref<128x128xf32, #tpu.memory_space<vmem>>, vector<16xf32>,
      %swap3A_50 = arith.index_cast %scan3A_40 : i32 to index
      %swap3A_51 = arith.constant 48 : index
      %swap3A_52 = tpu.vector_load %arg8[%swap3A_50, %swap3A_51] {strides = array<i32>} : memref<128x128xf32, #tpu.memory_space<vmem>>, vector<16xf32>,
      tpu.vector_store %arg8[%swap3A_50, %swap3A_51], %broadcast_in_dim3A_1 {strides = array<i32>} : memref<128x128xf32, #tpu.memory_space<vmem>>, vector<16xf32>,
      %swap3A_53 = arith.index_cast %scan3A_40 : i32 to index
      %swap3A_54 = arith.constant 64 : index
      %swap3A_55 = tpu.vector_load %arg8[%swap3A_53, %swap3A_54] {strides = array<i32>} : memref<128x128xf32, #tpu.memory_space<vmem>>, vector<16xf32>,
      tpu.vector_store %arg8[%swap3A_53, %swap3A_54], %broadcast_in_dim3A_1 {strides = array<i32>} : memref<128x128xf32, #tpu.memory_space<vmem>>, vector<16xf32>,
      %swap3A_56 = arith.index_cast %scan3A_40 : i32 to index
      %swap3A_57 = arith.constant 80 : index
      %swap3A_58 = tpu.vector_load %arg8[%swap3A_56, %swap3A_57] {strides = array<i32>} : memref<128x128xf32, #tpu.memory_space<vmem>>, vector<16xf32>,
      tpu.vector_store %arg8[%swap3A_56, %swap3A_57], %broadcast_in_dim3A_1 {strides = array<i32>} : memref<128x128xf32, #tpu.memory_space<vmem>>, vector<16xf32>,
      %swap3A_59 = arith.index_cast %scan3A_40 : i32 to index
      %swap3A_60 = arith.constant 96 : index
      %swap3A_61 = tpu.vector_load %arg8[%swap3A_59, %swap3A_60] {strides = array<i32>} : memref<128x128xf32, #tpu.memory_space<vmem>>, vector<16xf32>,
      tpu.vector_store %arg8[%swap3A_59, %swap3A_60], %broadcast_in_dim3A_1 {strides = array<i32>} : memref<128x128xf32, #tpu.memory_space<vmem>>, vector<16xf32>,
      %swap3A_62 = arith.index_cast %scan3A_40 : i32 to index
      %swap3A_63 = arith.constant 112 : index
      %swap3A_64 = tpu.vector_load %arg8[%swap3A_62, %swap3A_63] {strides = array<i32>} : memref<128x128xf32, #tpu.memory_space<vmem>>, vector<16xf32>,
      tpu.vector_store %arg8[%swap3A_62, %swap3A_63], %broadcast_in_dim3A_1 {strides = array<i32>} : memref<128x128xf32, #tpu.memory_space<vmem>>, vector<16xf32>,
      %scan3A_65 = arith.constant 0 : i32
      scf.yield %scan3A_65 : i32
    }
    %scan3A_7 = arith.constant 128 : i32
    %mul3A_8 = arith.constant 640 : i32
    %mul3A_9 = arith.muli %arg1, %mul3A_8 : i32
    %add3A_10 = arith.constant 0 : i32
    %add3A_11 = arith.addi %mul3A_9, %add3A_10 : i32
    "tpu.region"() ({
      %run_scoped3A = tpu.sem_alloc : memref<!tpu.dma_semaphore, #tpu.memory_space<semaphore_mem>>
      %dma_start3A = arith.constant 0 : i32
      %dma_start3A_40 = tpu.memref_slice %arg9[%add3A_11, %dma_start3A] : memref<10240x128xf32, #tpu.memory_space<vmem_shared>> -> memref<128x128xf32, #tpu.memory_space<vmem_shared>>
      %dma_start3A_41 = arith.constant 0 : i32
      %dma_start3A_42 = tpu.memref_slice %arg9[%add3A_11, %dma_start3A_41] : memref<10240x128xf32, #tpu.memory_space<vmem_shared>> -> memref<128x128xf32, #tpu.memory_space<vmem_shared>>
      tpu.enqueue_dma source(%arg8 : memref<128x128xf32, #tpu.memory_space<vmem>>) target(%dma_start3A_42 : memref<128x128xf32, #tpu.memory_space<vmem_shared>>) target_semaphore(%run_scoped3A : memref<!tpu.dma_semaphore, #tpu.memory_space<semaphore_mem>>)
      %dma_wait3A = arith.constant 0 : i32
      %dma_wait3A_43 = tpu.memref_slice %arg9[%add3A_11, %dma_wait3A] : memref<10240x128xf32, #tpu.memory_space<vmem_shared>> -> memref<128x128xf32, #tpu.memory_space<vmem_shared>>
      %dma_wait3A_44 = arith.constant 0 : i32
      %dma_wait3A_45 = tpu.memref_slice %arg9[%add3A_11, %dma_wait3A_44] : memref<10240x128xf32, #tpu.memory_space<vmem_shared>> -> memref<128x128xf32, #tpu.memory_space<vmem_shared>>
      tpu.wait_dma2 semaphore(%run_scoped3A : memref<!tpu.dma_semaphore, #tpu.memory_space<semaphore_mem>>) src(%arg8 : memref<128x128xf32, #tpu.memory_space<vmem>>) dst(%dma_wait3A_45 : memref<128x128xf32, #tpu.memory_space<vmem_shared>>)
      tpu.yield
    }) : () -> ()
    %mul3A_12 = arith.constant 640 : i32
    %mul3A_13 = arith.muli %arg1, %mul3A_12 : i32
    %add3A_14 = arith.constant 128 : i32
    %add3A_15 = arith.addi %mul3A_13, %add3A_14 : i32
    "tpu.region"() ({
      %run_scoped3A = tpu.sem_alloc : memref<!tpu.dma_semaphore, #tpu.memory_space<semaphore_mem>>
      %dma_start3A = arith.constant 0 : i32
      %dma_start3A_40 = tpu.memref_slice %arg9[%add3A_15, %dma_start3A] : memref<10240x128xf32, #tpu.memory_space<vmem_shared>> -> memref<128x128xf32, #tpu.memory_space<vmem_shared>>
      %dma_start3A_41 = arith.constant 0 : i32
      %dma_start3A_42 = tpu.memref_slice %arg9[%add3A_15, %dma_start3A_41] : memref<10240x128xf32, #tpu.memory_space<vmem_shared>> -> memref<128x128xf32, #tpu.memory_space<vmem_shared>>
      tpu.enqueue_dma source(%arg8 : memref<128x128xf32, #tpu.memory_space<vmem>>) target(%dma_start3A_42 : memref<128x128xf32, #tpu.memory_space<vmem_shared>>) target_semaphore(%run_scoped3A : memref<!tpu.dma_semaphore, #tpu.memory_space<semaphore_mem>>)
      %dma_wait3A = arith.constant 0 : i32
      %dma_wait3A_43 = tpu.memref_slice %arg9[%add3A_15, %dma_wait3A] : memref<10240x128xf32, #tpu.memory_space<vmem_shared>> -> memref<128x128xf32, #tpu.memory_space<vmem_shared>>
      %dma_wait3A_44 = arith.constant 0 : i32
      %dma_wait3A_45 = tpu.memref_slice %arg9[%add3A_15, %dma_wait3A_44] : memref<10240x128xf32, #tpu.memory_space<vmem_shared>> -> memref<128x128xf32, #tpu.memory_space<vmem_shared>>
      tpu.wait_dma2 semaphore(%run_scoped3A : memref<!tpu.dma_semaphore, #tpu.memory_space<semaphore_mem>>) src(%arg8 : memref<128x128xf32, #tpu.memory_space<vmem>>) dst(%dma_wait3A_45 : memref<128x128xf32, #tpu.memory_space<vmem_shared>>)
      tpu.yield
    }) : () -> ()
    %mul3A_16 = arith.constant 640 : i32
    %mul3A_17 = arith.muli %arg1, %mul3A_16 : i32
    %add3A_18 = arith.constant 256 : i32
    %add3A_19 = arith.addi %mul3A_17, %add3A_18 : i32
    "tpu.region"() ({
      %run_scoped3A = tpu.sem_alloc : memref<!tpu.dma_semaphore, #tpu.memory_space<semaphore_mem>>
      %dma_start3A = arith.constant 0 : i32
      %dma_start3A_40 = tpu.memref_slice %arg9[%add3A_19, %dma_start3A] : memref<10240x128xf32, #tpu.memory_space<vmem_shared>> -> memref<128x128xf32, #tpu.memory_space<vmem_shared>>
      %dma_start3A_41 = arith.constant 0 : i32
      %dma_start3A_42 = tpu.memref_slice %arg9[%add3A_19, %dma_start3A_41] : memref<10240x128xf32, #tpu.memory_space<vmem_shared>> -> memref<128x128xf32, #tpu.memory_space<vmem_shared>>
      tpu.enqueue_dma source(%arg8 : memref<128x128xf32, #tpu.memory_space<vmem>>) target(%dma_start3A_42 : memref<128x128xf32, #tpu.memory_space<vmem_shared>>) target_semaphore(%run_scoped3A : memref<!tpu.dma_semaphore, #tpu.memory_space<semaphore_mem>>)
      %dma_wait3A = arith.constant 0 : i32
      %dma_wait3A_43 = tpu.memref_slice %arg9[%add3A_19, %dma_wait3A] : memref<10240x128xf32, #tpu.memory_space<vmem_shared>> -> memref<128x128xf32, #tpu.memory_space<vmem_shared>>
      %dma_wait3A_44 = arith.constant 0 : i32
      %dma_wait3A_45 = tpu.memref_slice %arg9[%add3A_19, %dma_wait3A_44] : memref<10240x128xf32, #tpu.memory_space<vmem_shared>> -> memref<128x128xf32, #tpu.memory_space<vmem_shared>>
      tpu.wait_dma2 semaphore(%run_scoped3A : memref<!tpu.dma_semaphore, #tpu.memory_space<semaphore_mem>>) src(%arg8 : memref<128x128xf32, #tpu.memory_space<vmem>>) dst(%dma_wait3A_45 : memref<128x128xf32, #tpu.memory_space<vmem_shared>>)
      tpu.yield
    }) : () -> ()
    %mul3A_20 = arith.constant 640 : i32
    %mul3A_21 = arith.muli %arg1, %mul3A_20 : i32
    %add3A_22 = arith.constant 384 : i32
    %add3A_23 = arith.addi %mul3A_21, %add3A_22 : i32
    "tpu.region"() ({
      %run_scoped3A = tpu.sem_alloc : memref<!tpu.dma_semaphore, #tpu.memory_space<semaphore_mem>>
      %dma_start3A = arith.constant 0 : i32
      %dma_start3A_40 = tpu.memref_slice %arg9[%add3A_23, %dma_start3A] : memref<10240x128xf32, #tpu.memory_space<vmem_shared>> -> memref<128x128xf32, #tpu.memory_space<vmem_shared>>
      %dma_start3A_41 = arith.constant 0 : i32
      %dma_start3A_42 = tpu.memref_slice %arg9[%add3A_23, %dma_start3A_41] : memref<10240x128xf32, #tpu.memory_space<vmem_shared>> -> memref<128x128xf32, #tpu.memory_space<vmem_shared>>
      tpu.enqueue_dma source(%arg8 : memref<128x128xf32, #tpu.memory_space<vmem>>) target(%dma_start3A_42 : memref<128x128xf32, #tpu.memory_space<vmem_shared>>) target_semaphore(%run_scoped3A : memref<!tpu.dma_semaphore, #tpu.memory_space<semaphore_mem>>)
      %dma_wait3A = arith.constant 0 : i32
      %dma_wait3A_43 = tpu.memref_slice %arg9[%add3A_23, %dma_wait3A] : memref<10240x128xf32, #tpu.memory_space<vmem_shared>> -> memref<128x128xf32, #tpu.memory_space<vmem_shared>>
      %dma_wait3A_44 = arith.constant 0 : i32
      %dma_wait3A_45 = tpu.memref_slice %arg9[%add3A_23, %dma_wait3A_44] : memref<10240x128xf32, #tpu.memory_space<vmem_shared>> -> memref<128x128xf32, #tpu.memory_space<vmem_shared>>
      tpu.wait_dma2 semaphore(%run_scoped3A : memref<!tpu.dma_semaphore, #tpu.memory_space<semaphore_mem>>) src(%arg8 : memref<128x128xf32, #tpu.memory_space<vmem>>) dst(%dma_wait3A_45 : memref<128x128xf32, #tpu.memory_space<vmem_shared>>)
      tpu.yield
    }) : () -> ()
    %mul3A_24 = arith.constant 640 : i32
    %mul3A_25 = arith.muli %arg1, %mul3A_24 : i32
    %add3A_26 = arith.constant 512 : i32
    %add3A_27 = arith.addi %mul3A_25, %add3A_26 : i32
    "tpu.region"() ({
      %run_scoped3A = tpu.sem_alloc : memref<!tpu.dma_semaphore, #tpu.memory_space<semaphore_mem>>
      %dma_start3A = arith.constant 0 : i32
      %dma_start3A_40 = tpu.memref_slice %arg9[%add3A_27, %dma_start3A] : memref<10240x128xf32, #tpu.memory_space<vmem_shared>> -> memref<128x128xf32, #tpu.memory_space<vmem_shared>>
      %dma_start3A_41 = arith.constant 0 : i32
      %dma_start3A_42 = tpu.memref_slice %arg9[%add3A_27, %dma_start3A_41] : memref<10240x128xf32, #tpu.memory_space<vmem_shared>> -> memref<128x128xf32, #tpu.memory_space<vmem_shared>>
      tpu.enqueue_dma source(%arg8 : memref<128x128xf32, #tpu.memory_space<vmem>>) target(%dma_start3A_42 : memref<128x128xf32, #tpu.memory_space<vmem_shared>>) target_semaphore(%run_scoped3A : memref<!tpu.dma_semaphore, #tpu.memory_space<semaphore_mem>>)
      %dma_wait3A = arith.constant 0 : i32
      %dma_wait3A_43 = tpu.memref_slice %arg9[%add3A_27, %dma_wait3A] : memref<10240x128xf32, #tpu.memory_space<vmem_shared>> -> memref<128x128xf32, #tpu.memory_space<vmem_shared>>
      %dma_wait3A_44 = arith.constant 0 : i32
      %dma_wait3A_45 = tpu.memref_slice %arg9[%add3A_27, %dma_wait3A_44] : memref<10240x128xf32, #tpu.memory_space<vmem_shared>> -> memref<128x128xf32, #tpu.memory_space<vmem_shared>>
      tpu.wait_dma2 semaphore(%run_scoped3A : memref<!tpu.dma_semaphore, #tpu.memory_space<semaphore_mem>>) src(%arg8 : memref<128x128xf32, #tpu.memory_space<vmem>>) dst(%dma_wait3A_45 : memref<128x128xf32, #tpu.memory_space<vmem_shared>>)
      tpu.yield
    }) : () -> ()
    %barrier3A = arith.constant 0 : index
    tpu.barrier barrier_id(%barrier3A)
    %scan3A_28 = arith.constant 0 : i32
    %scan3A_29 = arith.constant 0 : i32
    %scan3A_30 = arith.constant 79 : i32
    %scan3A_31 = arith.addi %scan3A_29, %scan3A_30 : i32
    %scan3A_32 = arith.constant 1 : i32
    %scan3A_33 = scf.for %scan3A_40 = %scan3A_29 to %scan3A_31 step %scan3A_32 iter_args(%scan3A_41 = %scan3A_28) -> (i32)  : i32 {
      "tpu.region"() ({
        %run_scoped3A = tpu.sem_alloc : memref<!tpu.dma_semaphore, #tpu.memory_space<semaphore_mem>>
        %dma_start3A = arith.constant 0 : i32
        %dma_start3A_43 = tpu.memref_slice %arg6[%scan3A_40, %dma_start3A] : memref<79x128xi32, #tpu.memory_space<vmem>> -> memref<1x128xi32, #tpu.memory_space<vmem>>
        %dma_start3A_44 = tpu.memref_squeeze %dma_start3A_43 : memref<1x128xi32, #tpu.memory_space<vmem>> -> memref<128xi32, #tpu.memory_space<vmem>>
        %dma_start3A_45 = arith.constant 0 : i32
        %dma_start3A_46 = arith.constant 0 : i32
        %dma_start3A_47 = tpu.memref_slice %arg2[%dma_start3A_45, %dma_start3A_46] : memref<10240x128xf32, #tpu.memory_space<hbm>> -> memref<10240x128xf32, #tpu.memory_space<hbm>>
        tpu.enqueue_indirect_dma source(%dma_start3A_47 : memref<10240x128xf32, #tpu.memory_space<hbm>>) target(%arg8 : memref<128x128xf32, #tpu.memory_space<vmem>>) offsets(%dma_start3A_44 : memref<128xi32, #tpu.memory_space<vmem>>) semaphore(%run_scoped3A : memref<!tpu.dma_semaphore, #tpu.memory_space<semaphore_mem>>)
        %dma_wait3A = arith.constant 0 : i32
        %dma_wait3A_48 = tpu.memref_slice %arg6[%scan3A_40, %dma_wait3A] : memref<79x128xi32, #tpu.memory_space<vmem>> -> memref<1x128xi32, #tpu.memory_space<vmem>>
        %dma_wait3A_49 = tpu.memref_squeeze %dma_wait3A_48 : memref<1x128xi32, #tpu.memory_space<vmem>> -> memref<128xi32, #tpu.memory_space<vmem>>
        %dma_wait3A_50 = arith.constant 0 : i32
        %dma_wait3A_51 = arith.constant 0 : i32
        %dma_wait3A_52 = tpu.memref_slice %arg2[%dma_wait3A_50, %dma_wait3A_51] : memref<10240x128xf32, #tpu.memory_space<hbm>> -> memref<10240x128xf32, #tpu.memory_space<hbm>>
        tpu.wait_indirect_dma semaphore(%run_scoped3A : memref<!tpu.dma_semaphore, #tpu.memory_space<semaphore_mem>>) src(%dma_wait3A_52 : memref<10240x128xf32, #tpu.memory_space<hbm>>) dst(%arg8 : memref<128x128xf32, #tpu.memory_space<vmem>>)
        tpu.yield
      }) : () -> ()
      "tpu.region"() ({
        %run_scoped3A = tpu.sem_alloc : memref<!tpu.dma_semaphore, #tpu.memory_space<semaphore_mem>>
        %dma_start3A = arith.constant 0 : i32
        %dma_start3A_43 = tpu.memref_slice %arg7[%scan3A_40, %dma_start3A] : memref<79x128xi32, #tpu.memory_space<vmem>> -> memref<1x128xi32, #tpu.memory_space<vmem>>
        %dma_start3A_44 = tpu.memref_squeeze %dma_start3A_43 : memref<1x128xi32, #tpu.memory_space<vmem>> -> memref<128xi32, #tpu.memory_space<vmem>>
        %dma_start3A_45 = arith.constant 0 : i32
        %dma_start3A_46 = arith.constant 0 : i32
        %dma_start3A_47 = tpu.memref_slice %arg9[%dma_start3A_45, %dma_start3A_46] : memref<10240x128xf32, #tpu.memory_space<vmem_shared>> -> memref<10240x128xf32, #tpu.memory_space<vmem_shared>>
        tpu.enqueue_indirect_dma source(%arg8 : memref<128x128xf32, #tpu.memory_space<vmem>>) target(%dma_start3A_47 : memref<10240x128xf32, #tpu.memory_space<vmem_shared>>) offsets(%dma_start3A_44 : memref<128xi32, #tpu.memory_space<vmem>>) semaphore(%run_scoped3A : memref<!tpu.dma_semaphore, #tpu.memory_space<semaphore_mem>>) {add = true}
        %dma_wait3A = arith.constant 0 : i32
        %dma_wait3A_48 = tpu.memref_slice %arg7[%scan3A_40, %dma_wait3A] : memref<79x128xi32, #tpu.memory_space<vmem>> -> memref<1x128xi32, #tpu.memory_space<vmem>>
        %dma_wait3A_49 = tpu.memref_squeeze %dma_wait3A_48 : memref<1x128xi32, #tpu.memory_space<vmem>> -> memref<128xi32, #tpu.memory_space<vmem>>
        %dma_wait3A_50 = arith.constant 0 : i32
        %dma_wait3A_51 = arith.constant 0 : i32
        %dma_wait3A_52 = tpu.memref_slice %arg9[%dma_wait3A_50, %dma_wait3A_51] : memref<10240x128xf32, #tpu.memory_space<vmem_shared>> -> memref<10240x128xf32, #tpu.memory_space<vmem_shared>>
        tpu.wait_indirect_dma semaphore(%run_scoped3A : memref<!tpu.dma_semaphore, #tpu.memory_space<semaphore_mem>>) src(%arg8 : memref<128x128xf32, #tpu.memory_space<vmem>>) dst(%dma_wait3A_52 : memref<10240x128xf32, #tpu.memory_space<vmem_shared>>)
        tpu.yield
      }) : () -> ()
      %scan3A_42 = arith.constant 0 : i32
      scf.yield %scan3A_42 : i32
    }
    %scan3A_34 = arith.constant 79 : i32
    %barrier3A_35 = arith.constant 0 : index
    tpu.barrier barrier_id(%barrier3A_35)
    %mul3A_36 = arith.constant 640 : i32
    %mul3A_37 = arith.muli %arg1, %mul3A_36 : i32
    %mul3A_38 = arith.constant 640 : i32
    %mul3A_39 = arith.muli %arg1, %mul3A_38 : i32
    "tpu.region"() ({
      %run_scoped3A = tpu.sem_alloc : memref<!tpu.dma_semaphore, #tpu.memory_space<semaphore_mem>>
      %dma_start3A = arith.constant 0 : i32
      %dma_start3A_40 = tpu.memref_slice %arg5[%arg0, %mul3A_39, %dma_start3A] : memref<2x10240x128xf32, #tpu.memory_space<hbm>> -> memref<1x640x128xf32, #tpu.memory_space<hbm>>
      %dma_start3A_41 = tpu.memref_squeeze %dma_start3A_40 : memref<1x640x128xf32, #tpu.memory_space<hbm>> -> memref<640x128xf32, #tpu.memory_space<hbm>>
      %dma_start3A_42 = arith.constant 0 : i32
      %dma_start3A_43 = tpu.memref_slice %arg9[%mul3A_37, %dma_start3A_42] : memref<10240x128xf32, #tpu.memory_space<vmem_shared>> -> memref<640x128xf32, #tpu.memory_space<vmem_shared>>
      tpu.enqueue_dma source(%dma_start3A_43 : memref<640x128xf32, #tpu.memory_space<vmem_shared>>) target(%dma_start3A_41 : memref<640x128xf32, #tpu.memory_space<hbm>>) target_semaphore(%run_scoped3A : memref<!tpu.dma_semaphore, #tpu.memory_space<semaphore_mem>>)
      %dma_wait3A = arith.constant 0 : i32
      %dma_wait3A_44 = tpu.memref_slice %arg5[%arg0, %mul3A_39, %dma_wait3A] : memref<2x10240x128xf32, #tpu.memory_space<hbm>> -> memref<1x640x128xf32, #tpu.memory_space<hbm>>
      %dma_wait3A_45 = tpu.memref_squeeze %dma_wait3A_44 : memref<1x640x128xf32, #tpu.memory_space<hbm>> -> memref<640x128xf32, #tpu.memory_space<hbm>>
      %dma_wait3A_46 = arith.constant 0 : i32
      %dma_wait3A_47 = tpu.memref_slice %arg9[%mul3A_37, %dma_wait3A_46] : memref<10240x128xf32, #tpu.memory_space<vmem_shared>> -> memref<640x128xf32, #tpu.memory_space<vmem_shared>>
      tpu.wait_dma2 semaphore(%run_scoped3A : memref<!tpu.dma_semaphore, #tpu.memory_space<semaphore_mem>>) src(%dma_wait3A_47 : memref<640x128xf32, #tpu.memory_space<vmem_shared>>) dst(%dma_wait3A_45 : memref<640x128xf32, #tpu.memory_space<hbm>>)
      tpu.yield
    }) : () -> ()
    return
  }
}

#map = affine_map<(d0, d1) -> (0, 0)>
#map1 = affine_map<(d0, d1) -> (0, 0, 0)>
module attributes {stable_mosaic.version = 14 : i64} {
  func.func @agg_kernel(%arg0: i32, %arg1: i32, %arg2: memref<10240x16xf32, #tpu.memory_space<hbm>>, %arg3: memref<32x79x128xi32, #tpu.memory_space<hbm>>, %arg4: memref<32x79x128xi32, #tpu.memory_space<hbm>>, %arg5: memref<2x10240x16xf32, #tpu.memory_space<hbm>>, %arg6: memref<79x128xi32, #tpu.memory_space<vmem>>, %arg7: memref<79x128xi32, #tpu.memory_space<vmem>>, %arg8: memref<128x16xf32, #tpu.memory_space<vmem>>, %arg9: memref<10240x16xf32, #tpu.memory_space<vmem_shared>>) attributes {dimension_semantics = [#tpu.dimension_semantics<core_parallel>, #tpu.dimension_semantics<subcore_parallel>], iteration_bounds = array<i64: 2, 16>, scalar_prefetch = 0 : i64, scratch_operands = 4 : i64, tpu.core_type = #tpu.core_type<sc_vector_subcore>, window_params = [{transform_indices = #map}, {transform_indices = #map1}, {transform_indices = #map1}, {transform_indices = #map1}]} {
    %mul3A = arith.constant 2 : i32
    %mul3A_0 = arith.muli %arg1, %mul3A : i32
    %add3A = arith.addi %mul3A_0, %arg0 : i32
    "tpu.region"() ({
      %run_scoped3A = tpu.sem_alloc : memref<!tpu.dma_semaphore, #tpu.memory_space<semaphore_mem>>
      %dma_start3A = arith.constant 0 : i32
      %dma_start3A_40 = arith.constant 0 : i32
      %dma_start3A_41 = tpu.memref_slice %arg3[%add3A, %dma_start3A, %dma_start3A_40] : memref<32x79x128xi32, #tpu.memory_space<hbm>> -> memref<1x79x128xi32, #tpu.memory_space<hbm>>
      %dma_start3A_42 = tpu.memref_squeeze %dma_start3A_41 : memref<1x79x128xi32, #tpu.memory_space<hbm>> -> memref<79x128xi32, #tpu.memory_space<hbm>>
      %dma_start3A_43 = arith.constant 0 : i32
      %dma_start3A_44 = arith.constant 0 : i32
      %dma_start3A_45 = tpu.memref_slice %arg3[%add3A, %dma_start3A_43, %dma_start3A_44] : memref<32x79x128xi32, #tpu.memory_space<hbm>> -> memref<1x79x128xi32, #tpu.memory_space<hbm>>
      %dma_start3A_46 = tpu.memref_squeeze %dma_start3A_45 : memref<1x79x128xi32, #tpu.memory_space<hbm>> -> memref<79x128xi32, #tpu.memory_space<hbm>>
      tpu.enqueue_dma source(%dma_start3A_46 : memref<79x128xi32, #tpu.memory_space<hbm>>) target(%arg6 : memref<79x128xi32, #tpu.memory_space<vmem>>) target_semaphore(%run_scoped3A : memref<!tpu.dma_semaphore, #tpu.memory_space<semaphore_mem>>)
      %dma_wait3A = arith.constant 0 : i32
      %dma_wait3A_47 = arith.constant 0 : i32
      %dma_wait3A_48 = tpu.memref_slice %arg3[%add3A, %dma_wait3A, %dma_wait3A_47] : memref<32x79x128xi32, #tpu.memory_space<hbm>> -> memref<1x79x128xi32, #tpu.memory_space<hbm>>
      %dma_wait3A_49 = tpu.memref_squeeze %dma_wait3A_48 : memref<1x79x128xi32, #tpu.memory_space<hbm>> -> memref<79x128xi32, #tpu.memory_space<hbm>>
      %dma_wait3A_50 = arith.constant 0 : i32
      %dma_wait3A_51 = arith.constant 0 : i32
      %dma_wait3A_52 = tpu.memref_slice %arg3[%add3A, %dma_wait3A_50, %dma_wait3A_51] : memref<32x79x128xi32, #tpu.memory_space<hbm>> -> memref<1x79x128xi32, #tpu.memory_space<hbm>>
      %dma_wait3A_53 = tpu.memref_squeeze %dma_wait3A_52 : memref<1x79x128xi32, #tpu.memory_space<hbm>> -> memref<79x128xi32, #tpu.memory_space<hbm>>
      tpu.wait_dma2 semaphore(%run_scoped3A : memref<!tpu.dma_semaphore, #tpu.memory_space<semaphore_mem>>) src(%dma_wait3A_53 : memref<79x128xi32, #tpu.memory_space<hbm>>) dst(%arg6 : memref<79x128xi32, #tpu.memory_space<vmem>>)
      tpu.yield
    }) : () -> ()
    "tpu.region"() ({
      %run_scoped3A = tpu.sem_alloc : memref<!tpu.dma_semaphore, #tpu.memory_space<semaphore_mem>>
      %dma_start3A = arith.constant 0 : i32
      %dma_start3A_40 = arith.constant 0 : i32
      %dma_start3A_41 = tpu.memref_slice %arg4[%add3A, %dma_start3A, %dma_start3A_40] : memref<32x79x128xi32, #tpu.memory_space<hbm>> -> memref<1x79x128xi32, #tpu.memory_space<hbm>>
      %dma_start3A_42 = tpu.memref_squeeze %dma_start3A_41 : memref<1x79x128xi32, #tpu.memory_space<hbm>> -> memref<79x128xi32, #tpu.memory_space<hbm>>
      %dma_start3A_43 = arith.constant 0 : i32
      %dma_start3A_44 = arith.constant 0 : i32
      %dma_start3A_45 = tpu.memref_slice %arg4[%add3A, %dma_start3A_43, %dma_start3A_44] : memref<32x79x128xi32, #tpu.memory_space<hbm>> -> memref<1x79x128xi32, #tpu.memory_space<hbm>>
      %dma_start3A_46 = tpu.memref_squeeze %dma_start3A_45 : memref<1x79x128xi32, #tpu.memory_space<hbm>> -> memref<79x128xi32, #tpu.memory_space<hbm>>
      tpu.enqueue_dma source(%dma_start3A_46 : memref<79x128xi32, #tpu.memory_space<hbm>>) target(%arg7 : memref<79x128xi32, #tpu.memory_space<vmem>>) target_semaphore(%run_scoped3A : memref<!tpu.dma_semaphore, #tpu.memory_space<semaphore_mem>>)
      %dma_wait3A = arith.constant 0 : i32
      %dma_wait3A_47 = arith.constant 0 : i32
      %dma_wait3A_48 = tpu.memref_slice %arg4[%add3A, %dma_wait3A, %dma_wait3A_47] : memref<32x79x128xi32, #tpu.memory_space<hbm>> -> memref<1x79x128xi32, #tpu.memory_space<hbm>>
      %dma_wait3A_49 = tpu.memref_squeeze %dma_wait3A_48 : memref<1x79x128xi32, #tpu.memory_space<hbm>> -> memref<79x128xi32, #tpu.memory_space<hbm>>
      %dma_wait3A_50 = arith.constant 0 : i32
      %dma_wait3A_51 = arith.constant 0 : i32
      %dma_wait3A_52 = tpu.memref_slice %arg4[%add3A, %dma_wait3A_50, %dma_wait3A_51] : memref<32x79x128xi32, #tpu.memory_space<hbm>> -> memref<1x79x128xi32, #tpu.memory_space<hbm>>
      %dma_wait3A_53 = tpu.memref_squeeze %dma_wait3A_52 : memref<1x79x128xi32, #tpu.memory_space<hbm>> -> memref<79x128xi32, #tpu.memory_space<hbm>>
      tpu.wait_dma2 semaphore(%run_scoped3A : memref<!tpu.dma_semaphore, #tpu.memory_space<semaphore_mem>>) src(%dma_wait3A_53 : memref<79x128xi32, #tpu.memory_space<hbm>>) dst(%arg7 : memref<79x128xi32, #tpu.memory_space<vmem>>)
      tpu.yield
    }) : () -> ()
    %broadcast_in_dim3A = arith.constant 0.000000e+00 : f32
    %broadcast_in_dim3A_1 = vector.broadcast %broadcast_in_dim3A : f32 to vector<16xf32>
    %scan3A = arith.constant 0 : i32
    %scan3A_2 = arith.constant 0 : i32
    %scan3A_3 = arith.constant 128 : i32
    %scan3A_4 = arith.addi %scan3A_2, %scan3A_3 : i32
    %scan3A_5 = arith.constant 1 : i32
    %scan3A_6 = scf.for %scan3A_40 = %scan3A_2 to %scan3A_4 step %scan3A_5 iter_args(%scan3A_41 = %scan3A) -> (i32)  : i32 {
      %swap3A = arith.index_cast %scan3A_40 : i32 to index
      %swap3A_42 = arith.constant 0 : index
      %swap3A_43 = tpu.vector_load %arg8[%swap3A, %swap3A_42] {strides = array<i32>} : memref<128x16xf32, #tpu.memory_space<vmem>>, vector<16xf32>,
      tpu.vector_store %arg8[%swap3A, %swap3A_42], %broadcast_in_dim3A_1 {strides = array<i32>} : memref<128x16xf32, #tpu.memory_space<vmem>>, vector<16xf32>,
      %scan3A_44 = arith.constant 0 : i32
      scf.yield %scan3A_44 : i32
    }
    %scan3A_7 = arith.constant 128 : i32
    %mul3A_8 = arith.constant 640 : i32
    %mul3A_9 = arith.muli %arg1, %mul3A_8 : i32
    %add3A_10 = arith.constant 0 : i32
    %add3A_11 = arith.addi %mul3A_9, %add3A_10 : i32
    "tpu.region"() ({
      %run_scoped3A = tpu.sem_alloc : memref<!tpu.dma_semaphore, #tpu.memory_space<semaphore_mem>>
      %dma_start3A = arith.constant 0 : i32
      %dma_start3A_40 = tpu.memref_slice %arg9[%add3A_11, %dma_start3A] : memref<10240x16xf32, #tpu.memory_space<vmem_shared>> -> memref<128x16xf32, #tpu.memory_space<vmem_shared>>
      %dma_start3A_41 = arith.constant 0 : i32
      %dma_start3A_42 = tpu.memref_slice %arg9[%add3A_11, %dma_start3A_41] : memref<10240x16xf32, #tpu.memory_space<vmem_shared>> -> memref<128x16xf32, #tpu.memory_space<vmem_shared>>
      tpu.enqueue_dma source(%arg8 : memref<128x16xf32, #tpu.memory_space<vmem>>) target(%dma_start3A_42 : memref<128x16xf32, #tpu.memory_space<vmem_shared>>) target_semaphore(%run_scoped3A : memref<!tpu.dma_semaphore, #tpu.memory_space<semaphore_mem>>)
      %dma_wait3A = arith.constant 0 : i32
      %dma_wait3A_43 = tpu.memref_slice %arg9[%add3A_11, %dma_wait3A] : memref<10240x16xf32, #tpu.memory_space<vmem_shared>> -> memref<128x16xf32, #tpu.memory_space<vmem_shared>>
      %dma_wait3A_44 = arith.constant 0 : i32
      %dma_wait3A_45 = tpu.memref_slice %arg9[%add3A_11, %dma_wait3A_44] : memref<10240x16xf32, #tpu.memory_space<vmem_shared>> -> memref<128x16xf32, #tpu.memory_space<vmem_shared>>
      tpu.wait_dma2 semaphore(%run_scoped3A : memref<!tpu.dma_semaphore, #tpu.memory_space<semaphore_mem>>) src(%arg8 : memref<128x16xf32, #tpu.memory_space<vmem>>) dst(%dma_wait3A_45 : memref<128x16xf32, #tpu.memory_space<vmem_shared>>)
      tpu.yield
    }) : () -> ()
    %mul3A_12 = arith.constant 640 : i32
    %mul3A_13 = arith.muli %arg1, %mul3A_12 : i32
    %add3A_14 = arith.constant 128 : i32
    %add3A_15 = arith.addi %mul3A_13, %add3A_14 : i32
    "tpu.region"() ({
      %run_scoped3A = tpu.sem_alloc : memref<!tpu.dma_semaphore, #tpu.memory_space<semaphore_mem>>
      %dma_start3A = arith.constant 0 : i32
      %dma_start3A_40 = tpu.memref_slice %arg9[%add3A_15, %dma_start3A] : memref<10240x16xf32, #tpu.memory_space<vmem_shared>> -> memref<128x16xf32, #tpu.memory_space<vmem_shared>>
      %dma_start3A_41 = arith.constant 0 : i32
      %dma_start3A_42 = tpu.memref_slice %arg9[%add3A_15, %dma_start3A_41] : memref<10240x16xf32, #tpu.memory_space<vmem_shared>> -> memref<128x16xf32, #tpu.memory_space<vmem_shared>>
      tpu.enqueue_dma source(%arg8 : memref<128x16xf32, #tpu.memory_space<vmem>>) target(%dma_start3A_42 : memref<128x16xf32, #tpu.memory_space<vmem_shared>>) target_semaphore(%run_scoped3A : memref<!tpu.dma_semaphore, #tpu.memory_space<semaphore_mem>>)
      %dma_wait3A = arith.constant 0 : i32
      %dma_wait3A_43 = tpu.memref_slice %arg9[%add3A_15, %dma_wait3A] : memref<10240x16xf32, #tpu.memory_space<vmem_shared>> -> memref<128x16xf32, #tpu.memory_space<vmem_shared>>
      %dma_wait3A_44 = arith.constant 0 : i32
      %dma_wait3A_45 = tpu.memref_slice %arg9[%add3A_15, %dma_wait3A_44] : memref<10240x16xf32, #tpu.memory_space<vmem_shared>> -> memref<128x16xf32, #tpu.memory_space<vmem_shared>>
      tpu.wait_dma2 semaphore(%run_scoped3A : memref<!tpu.dma_semaphore, #tpu.memory_space<semaphore_mem>>) src(%arg8 : memref<128x16xf32, #tpu.memory_space<vmem>>) dst(%dma_wait3A_45 : memref<128x16xf32, #tpu.memory_space<vmem_shared>>)
      tpu.yield
    }) : () -> ()
    %mul3A_16 = arith.constant 640 : i32
    %mul3A_17 = arith.muli %arg1, %mul3A_16 : i32
    %add3A_18 = arith.constant 256 : i32
    %add3A_19 = arith.addi %mul3A_17, %add3A_18 : i32
    "tpu.region"() ({
      %run_scoped3A = tpu.sem_alloc : memref<!tpu.dma_semaphore, #tpu.memory_space<semaphore_mem>>
      %dma_start3A = arith.constant 0 : i32
      %dma_start3A_40 = tpu.memref_slice %arg9[%add3A_19, %dma_start3A] : memref<10240x16xf32, #tpu.memory_space<vmem_shared>> -> memref<128x16xf32, #tpu.memory_space<vmem_shared>>
      %dma_start3A_41 = arith.constant 0 : i32
      %dma_start3A_42 = tpu.memref_slice %arg9[%add3A_19, %dma_start3A_41] : memref<10240x16xf32, #tpu.memory_space<vmem_shared>> -> memref<128x16xf32, #tpu.memory_space<vmem_shared>>
      tpu.enqueue_dma source(%arg8 : memref<128x16xf32, #tpu.memory_space<vmem>>) target(%dma_start3A_42 : memref<128x16xf32, #tpu.memory_space<vmem_shared>>) target_semaphore(%run_scoped3A : memref<!tpu.dma_semaphore, #tpu.memory_space<semaphore_mem>>)
      %dma_wait3A = arith.constant 0 : i32
      %dma_wait3A_43 = tpu.memref_slice %arg9[%add3A_19, %dma_wait3A] : memref<10240x16xf32, #tpu.memory_space<vmem_shared>> -> memref<128x16xf32, #tpu.memory_space<vmem_shared>>
      %dma_wait3A_44 = arith.constant 0 : i32
      %dma_wait3A_45 = tpu.memref_slice %arg9[%add3A_19, %dma_wait3A_44] : memref<10240x16xf32, #tpu.memory_space<vmem_shared>> -> memref<128x16xf32, #tpu.memory_space<vmem_shared>>
      tpu.wait_dma2 semaphore(%run_scoped3A : memref<!tpu.dma_semaphore, #tpu.memory_space<semaphore_mem>>) src(%arg8 : memref<128x16xf32, #tpu.memory_space<vmem>>) dst(%dma_wait3A_45 : memref<128x16xf32, #tpu.memory_space<vmem_shared>>)
      tpu.yield
    }) : () -> ()
    %mul3A_20 = arith.constant 640 : i32
    %mul3A_21 = arith.muli %arg1, %mul3A_20 : i32
    %add3A_22 = arith.constant 384 : i32
    %add3A_23 = arith.addi %mul3A_21, %add3A_22 : i32
    "tpu.region"() ({
      %run_scoped3A = tpu.sem_alloc : memref<!tpu.dma_semaphore, #tpu.memory_space<semaphore_mem>>
      %dma_start3A = arith.constant 0 : i32
      %dma_start3A_40 = tpu.memref_slice %arg9[%add3A_23, %dma_start3A] : memref<10240x16xf32, #tpu.memory_space<vmem_shared>> -> memref<128x16xf32, #tpu.memory_space<vmem_shared>>
      %dma_start3A_41 = arith.constant 0 : i32
      %dma_start3A_42 = tpu.memref_slice %arg9[%add3A_23, %dma_start3A_41] : memref<10240x16xf32, #tpu.memory_space<vmem_shared>> -> memref<128x16xf32, #tpu.memory_space<vmem_shared>>
      tpu.enqueue_dma source(%arg8 : memref<128x16xf32, #tpu.memory_space<vmem>>) target(%dma_start3A_42 : memref<128x16xf32, #tpu.memory_space<vmem_shared>>) target_semaphore(%run_scoped3A : memref<!tpu.dma_semaphore, #tpu.memory_space<semaphore_mem>>)
      %dma_wait3A = arith.constant 0 : i32
      %dma_wait3A_43 = tpu.memref_slice %arg9[%add3A_23, %dma_wait3A] : memref<10240x16xf32, #tpu.memory_space<vmem_shared>> -> memref<128x16xf32, #tpu.memory_space<vmem_shared>>
      %dma_wait3A_44 = arith.constant 0 : i32
      %dma_wait3A_45 = tpu.memref_slice %arg9[%add3A_23, %dma_wait3A_44] : memref<10240x16xf32, #tpu.memory_space<vmem_shared>> -> memref<128x16xf32, #tpu.memory_space<vmem_shared>>
      tpu.wait_dma2 semaphore(%run_scoped3A : memref<!tpu.dma_semaphore, #tpu.memory_space<semaphore_mem>>) src(%arg8 : memref<128x16xf32, #tpu.memory_space<vmem>>) dst(%dma_wait3A_45 : memref<128x16xf32, #tpu.memory_space<vmem_shared>>)
      tpu.yield
    }) : () -> ()
    %mul3A_24 = arith.constant 640 : i32
    %mul3A_25 = arith.muli %arg1, %mul3A_24 : i32
    %add3A_26 = arith.constant 512 : i32
    %add3A_27 = arith.addi %mul3A_25, %add3A_26 : i32
    "tpu.region"() ({
      %run_scoped3A = tpu.sem_alloc : memref<!tpu.dma_semaphore, #tpu.memory_space<semaphore_mem>>
      %dma_start3A = arith.constant 0 : i32
      %dma_start3A_40 = tpu.memref_slice %arg9[%add3A_27, %dma_start3A] : memref<10240x16xf32, #tpu.memory_space<vmem_shared>> -> memref<128x16xf32, #tpu.memory_space<vmem_shared>>
      %dma_start3A_41 = arith.constant 0 : i32
      %dma_start3A_42 = tpu.memref_slice %arg9[%add3A_27, %dma_start3A_41] : memref<10240x16xf32, #tpu.memory_space<vmem_shared>> -> memref<128x16xf32, #tpu.memory_space<vmem_shared>>
      tpu.enqueue_dma source(%arg8 : memref<128x16xf32, #tpu.memory_space<vmem>>) target(%dma_start3A_42 : memref<128x16xf32, #tpu.memory_space<vmem_shared>>) target_semaphore(%run_scoped3A : memref<!tpu.dma_semaphore, #tpu.memory_space<semaphore_mem>>)
      %dma_wait3A = arith.constant 0 : i32
      %dma_wait3A_43 = tpu.memref_slice %arg9[%add3A_27, %dma_wait3A] : memref<10240x16xf32, #tpu.memory_space<vmem_shared>> -> memref<128x16xf32, #tpu.memory_space<vmem_shared>>
      %dma_wait3A_44 = arith.constant 0 : i32
      %dma_wait3A_45 = tpu.memref_slice %arg9[%add3A_27, %dma_wait3A_44] : memref<10240x16xf32, #tpu.memory_space<vmem_shared>> -> memref<128x16xf32, #tpu.memory_space<vmem_shared>>
      tpu.wait_dma2 semaphore(%run_scoped3A : memref<!tpu.dma_semaphore, #tpu.memory_space<semaphore_mem>>) src(%arg8 : memref<128x16xf32, #tpu.memory_space<vmem>>) dst(%dma_wait3A_45 : memref<128x16xf32, #tpu.memory_space<vmem_shared>>)
      tpu.yield
    }) : () -> ()
    %barrier3A = arith.constant 0 : index
    tpu.barrier barrier_id(%barrier3A)
    %scan3A_28 = arith.constant 0 : i32
    %scan3A_29 = arith.constant 0 : i32
    %scan3A_30 = arith.constant 79 : i32
    %scan3A_31 = arith.addi %scan3A_29, %scan3A_30 : i32
    %scan3A_32 = arith.constant 1 : i32
    %scan3A_33 = scf.for %scan3A_40 = %scan3A_29 to %scan3A_31 step %scan3A_32 iter_args(%scan3A_41 = %scan3A_28) -> (i32)  : i32 {
      "tpu.region"() ({
        %run_scoped3A = tpu.sem_alloc : memref<!tpu.dma_semaphore, #tpu.memory_space<semaphore_mem>>
        %dma_start3A = arith.constant 0 : i32
        %dma_start3A_43 = tpu.memref_slice %arg6[%scan3A_40, %dma_start3A] : memref<79x128xi32, #tpu.memory_space<vmem>> -> memref<1x128xi32, #tpu.memory_space<vmem>>
        %dma_start3A_44 = tpu.memref_squeeze %dma_start3A_43 : memref<1x128xi32, #tpu.memory_space<vmem>> -> memref<128xi32, #tpu.memory_space<vmem>>
        %dma_start3A_45 = arith.constant 0 : i32
        %dma_start3A_46 = arith.constant 0 : i32
        %dma_start3A_47 = tpu.memref_slice %arg2[%dma_start3A_45, %dma_start3A_46] : memref<10240x16xf32, #tpu.memory_space<hbm>> -> memref<10240x16xf32, #tpu.memory_space<hbm>>
        tpu.enqueue_indirect_dma source(%dma_start3A_47 : memref<10240x16xf32, #tpu.memory_space<hbm>>) target(%arg8 : memref<128x16xf32, #tpu.memory_space<vmem>>) offsets(%dma_start3A_44 : memref<128xi32, #tpu.memory_space<vmem>>) semaphore(%run_scoped3A : memref<!tpu.dma_semaphore, #tpu.memory_space<semaphore_mem>>)
        %dma_wait3A = arith.constant 0 : i32
        %dma_wait3A_48 = tpu.memref_slice %arg6[%scan3A_40, %dma_wait3A] : memref<79x128xi32, #tpu.memory_space<vmem>> -> memref<1x128xi32, #tpu.memory_space<vmem>>
        %dma_wait3A_49 = tpu.memref_squeeze %dma_wait3A_48 : memref<1x128xi32, #tpu.memory_space<vmem>> -> memref<128xi32, #tpu.memory_space<vmem>>
        %dma_wait3A_50 = arith.constant 0 : i32
        %dma_wait3A_51 = arith.constant 0 : i32
        %dma_wait3A_52 = tpu.memref_slice %arg2[%dma_wait3A_50, %dma_wait3A_51] : memref<10240x16xf32, #tpu.memory_space<hbm>> -> memref<10240x16xf32, #tpu.memory_space<hbm>>
        tpu.wait_indirect_dma semaphore(%run_scoped3A : memref<!tpu.dma_semaphore, #tpu.memory_space<semaphore_mem>>) src(%dma_wait3A_52 : memref<10240x16xf32, #tpu.memory_space<hbm>>) dst(%arg8 : memref<128x16xf32, #tpu.memory_space<vmem>>)
        tpu.yield
      }) : () -> ()
      "tpu.region"() ({
        %run_scoped3A = tpu.sem_alloc : memref<!tpu.dma_semaphore, #tpu.memory_space<semaphore_mem>>
        %dma_start3A = arith.constant 0 : i32
        %dma_start3A_43 = tpu.memref_slice %arg7[%scan3A_40, %dma_start3A] : memref<79x128xi32, #tpu.memory_space<vmem>> -> memref<1x128xi32, #tpu.memory_space<vmem>>
        %dma_start3A_44 = tpu.memref_squeeze %dma_start3A_43 : memref<1x128xi32, #tpu.memory_space<vmem>> -> memref<128xi32, #tpu.memory_space<vmem>>
        %dma_start3A_45 = arith.constant 0 : i32
        %dma_start3A_46 = arith.constant 0 : i32
        %dma_start3A_47 = tpu.memref_slice %arg9[%dma_start3A_45, %dma_start3A_46] : memref<10240x16xf32, #tpu.memory_space<vmem_shared>> -> memref<10240x16xf32, #tpu.memory_space<vmem_shared>>
        tpu.enqueue_indirect_dma source(%arg8 : memref<128x16xf32, #tpu.memory_space<vmem>>) target(%dma_start3A_47 : memref<10240x16xf32, #tpu.memory_space<vmem_shared>>) offsets(%dma_start3A_44 : memref<128xi32, #tpu.memory_space<vmem>>) semaphore(%run_scoped3A : memref<!tpu.dma_semaphore, #tpu.memory_space<semaphore_mem>>) {add = true}
        %dma_wait3A = arith.constant 0 : i32
        %dma_wait3A_48 = tpu.memref_slice %arg7[%scan3A_40, %dma_wait3A] : memref<79x128xi32, #tpu.memory_space<vmem>> -> memref<1x128xi32, #tpu.memory_space<vmem>>
        %dma_wait3A_49 = tpu.memref_squeeze %dma_wait3A_48 : memref<1x128xi32, #tpu.memory_space<vmem>> -> memref<128xi32, #tpu.memory_space<vmem>>
        %dma_wait3A_50 = arith.constant 0 : i32
        %dma_wait3A_51 = arith.constant 0 : i32
        %dma_wait3A_52 = tpu.memref_slice %arg9[%dma_wait3A_50, %dma_wait3A_51] : memref<10240x16xf32, #tpu.memory_space<vmem_shared>> -> memref<10240x16xf32, #tpu.memory_space<vmem_shared>>
        tpu.wait_indirect_dma semaphore(%run_scoped3A : memref<!tpu.dma_semaphore, #tpu.memory_space<semaphore_mem>>) src(%arg8 : memref<128x16xf32, #tpu.memory_space<vmem>>) dst(%dma_wait3A_52 : memref<10240x16xf32, #tpu.memory_space<vmem_shared>>)
        tpu.yield
      }) : () -> ()
      %scan3A_42 = arith.constant 0 : i32
      scf.yield %scan3A_42 : i32
    }
    %scan3A_34 = arith.constant 79 : i32
    %barrier3A_35 = arith.constant 0 : index
    tpu.barrier barrier_id(%barrier3A_35)
    %mul3A_36 = arith.constant 640 : i32
    %mul3A_37 = arith.muli %arg1, %mul3A_36 : i32
    %mul3A_38 = arith.constant 640 : i32
    %mul3A_39 = arith.muli %arg1, %mul3A_38 : i32
    "tpu.region"() ({
      %run_scoped3A = tpu.sem_alloc : memref<!tpu.dma_semaphore, #tpu.memory_space<semaphore_mem>>
      %dma_start3A = arith.constant 0 : i32
      %dma_start3A_40 = tpu.memref_slice %arg5[%arg0, %mul3A_39, %dma_start3A] : memref<2x10240x16xf32, #tpu.memory_space<hbm>> -> memref<1x640x16xf32, #tpu.memory_space<hbm>>
      %dma_start3A_41 = tpu.memref_squeeze %dma_start3A_40 : memref<1x640x16xf32, #tpu.memory_space<hbm>> -> memref<640x16xf32, #tpu.memory_space<hbm>>
      %dma_start3A_42 = arith.constant 0 : i32
      %dma_start3A_43 = tpu.memref_slice %arg9[%mul3A_37, %dma_start3A_42] : memref<10240x16xf32, #tpu.memory_space<vmem_shared>> -> memref<640x16xf32, #tpu.memory_space<vmem_shared>>
      tpu.enqueue_dma source(%dma_start3A_43 : memref<640x16xf32, #tpu.memory_space<vmem_shared>>) target(%dma_start3A_41 : memref<640x16xf32, #tpu.memory_space<hbm>>) target_semaphore(%run_scoped3A : memref<!tpu.dma_semaphore, #tpu.memory_space<semaphore_mem>>)
      %dma_wait3A = arith.constant 0 : i32
      %dma_wait3A_44 = tpu.memref_slice %arg5[%arg0, %mul3A_39, %dma_wait3A] : memref<2x10240x16xf32, #tpu.memory_space<hbm>> -> memref<1x640x16xf32, #tpu.memory_space<hbm>>
      %dma_wait3A_45 = tpu.memref_squeeze %dma_wait3A_44 : memref<1x640x16xf32, #tpu.memory_space<hbm>> -> memref<640x16xf32, #tpu.memory_space<hbm>>
      %dma_wait3A_46 = arith.constant 0 : i32
      %dma_wait3A_47 = tpu.memref_slice %arg9[%mul3A_37, %dma_wait3A_46] : memref<10240x16xf32, #tpu.memory_space<vmem_shared>> -> memref<640x16xf32, #tpu.memory_space<vmem_shared>>
      tpu.wait_dma2 semaphore(%run_scoped3A : memref<!tpu.dma_semaphore, #tpu.memory_space<semaphore_mem>>) src(%dma_wait3A_47 : memref<640x16xf32, #tpu.memory_space<vmem_shared>>) dst(%dma_wait3A_45 : memref<640x16xf32, #tpu.memory_space<hbm>>)
      tpu.yield
    }) : () -> ()
    return
  }
}

module attributes {stable_mosaic.version = 14 : i64} {
  func.func @_b1_body(%arg0: i32, %arg1: memref<1024x128xf32, #tpu.memory_space<vmem>>, %arg2: memref<128x128xf32, #tpu.memory_space<vmem>>, %arg3: memref<32x1024xf32, #tpu.memory_space<vmem>>, %arg4: memref<1024x128xf32, #tpu.memory_space<vmem>>, %arg5: memref<1024x1xf32, #tpu.memory_space<vmem>>) attributes {dimension_semantics = [#tpu.dimension_semantics<arbitrary>], iteration_bounds = array<i64: 10>, scalar_prefetch = 0 : i64, scratch_operands = 0 : i64, tpu.core_type = #tpu.core_type<tc>, window_params = [{transform_indices = @transform_0, window_bounds = array<i64: 1024, 128>}, {pipeline_mode = #tpu.pipeline_mode<synchronous>, transform_indices = @transform_1, window_bounds = array<i64: 128, 128>}, {transform_indices = @transform_2, window_bounds = array<i64: 32, 1024>}, {transform_indices = @transform_3, window_bounds = array<i64: 1024, 128>}, {transform_indices = @transform_4, window_bounds = array<i64: 1024, 1>}]} {
    %get3A = arith.constant 0 : index
    %get3A_0 = arith.constant 0 : index
    %get3A_1 = vector.load %arg3[%get3A, %get3A_0] : memref<32x1024xf32, #tpu.memory_space<vmem>>, vector<32x1024xf32>
    %reduce_sum3A = arith.constant dense<0.000000e+00> : vector<1024xf32>
    %reduce_sum3A_2 = vector.multi_reduction <add>, %get3A_1, %reduce_sum3A [0] : vector<32x1024xf32> to vector<1024xf32>
    %add3A = arith.constant 1.000000e+00 : f32
    %add3A_3 = vector.broadcast %add3A : f32 to vector<1024xf32>
    %add3A_4 = arith.addf %add3A_3, %reduce_sum3A_2 : vector<1024xf32>
    %rsqrt3A = math.rsqrt %add3A_4 : vector<1024xf32>
    %get3A_5 = arith.constant 0 : index
    %get3A_6 = arith.constant 0 : index
    %get3A_7 = vector.load %arg1[%get3A_5, %get3A_6] : memref<1024x128xf32, #tpu.memory_space<vmem>>, vector<1024x128xf32>
    %get3A_8 = arith.constant 0 : index
    %get3A_9 = arith.constant 0 : index
    %get3A_10 = vector.load %arg2[%get3A_8, %get3A_9] : memref<128x128xf32, #tpu.memory_space<vmem>>, vector<128x128xf32>
    %dot_general3A = arith.constant dense<0.000000e+00> : vector<1024x128xf32>
    %dot_general3A_11 = tpu.matmul %get3A_7, %get3A_10, %dot_general3A {dimension_numbers = #tpu.dot_dimension_numbers<[1], [0], [0], [1], [0, 0, 1, 1], [], []>, transpose_lhs_hint = false} : vector<1024x128xf32>, vector<128x128xf32>, vector<1024x128xf32> -> vector<1024x128xf32>
    %broadcast_in_dim3A = vector.shape_cast %rsqrt3A : vector<1024xf32> to vector<1024x1xf32>
    %mul3A = vector.broadcast %broadcast_in_dim3A : vector<1024x1xf32> to vector<1024x128xf32>
    %mul3A_12 = arith.mulf %dot_general3A_11, %mul3A : vector<1024x128xf32>
    %swap3A = arith.constant 0 : index
    %swap3A_13 = arith.constant 0 : index
    %swap3A_14 = vector.load %arg4[%swap3A, %swap3A_13] : memref<1024x128xf32, #tpu.memory_space<vmem>>, vector<1024x128xf32>
    tpu.vector_store %arg4[%swap3A, %swap3A_13], %mul3A_12 {strides = array<i32>} : memref<1024x128xf32, #tpu.memory_space<vmem>>, vector<1024x128xf32>,
    %broadcast_in_dim3A_15 = vector.shape_cast %rsqrt3A : vector<1024xf32> to vector<1024x1xf32>
    %swap3A_16 = arith.constant 0 : index
    %swap3A_17 = arith.constant 0 : index
    %swap3A_18 = vector.load %arg5[%swap3A_16, %swap3A_17] : memref<1024x1xf32, #tpu.memory_space<vmem>>, vector<1024x1xf32>
    tpu.vector_store %arg5[%swap3A_16, %swap3A_17], %broadcast_in_dim3A_15 {strides = array<i32>} : memref<1024x1xf32, #tpu.memory_space<vmem>>, vector<1024x1xf32>,
    return
  }
  func.func @transform_0(%arg0: i32) -> (i32, i32) {
    %c0_i32 = arith.constant 0 : i32
    %c0_i32_0 = arith.constant 0 : i32
    return %arg0, %c0_i32 : i32, i32
  }
  func.func @transform_1(%arg0: i32) -> (i32, i32) {
    %c0_i32 = arith.constant 0 : i32
    %c0_i32_0 = arith.constant 0 : i32
    %c0_i32_1 = arith.constant 0 : i32
    return %c0_i32, %c0_i32_0 : i32, i32
  }
  func.func @transform_2(%arg0: i32) -> (i32, i32) {
    %c0_i32 = arith.constant 0 : i32
    %c0_i32_0 = arith.constant 0 : i32
    return %c0_i32, %arg0 : i32, i32
  }
  func.func @transform_3(%arg0: i32) -> (i32, i32) {
    %c0_i32 = arith.constant 0 : i32
    %c0_i32_0 = arith.constant 0 : i32
    return %arg0, %c0_i32 : i32, i32
  }
  func.func @transform_4(%arg0: i32) -> (i32, i32) {
    %c0_i32 = arith.constant 0 : i32
    %c0_i32_0 = arith.constant 0 : i32
    return %arg0, %c0_i32 : i32, i32
  }
}

module attributes {stable_mosaic.version = 14 : i64} {
  func.func @_b2_body(%arg0: i32, %arg1: memref<1024x128xf32, #tpu.memory_space<vmem>>, %arg2: memref<1024x128xf32, #tpu.memory_space<vmem>>, %arg3: memref<1024x128xf32, #tpu.memory_space<vmem>>, %arg4: memref<1024x1xf32, #tpu.memory_space<vmem>>, %arg5: memref<1x128xf32, #tpu.memory_space<vmem>>, %arg6: memref<128x128xf32, #tpu.memory_space<vmem>>, %arg7: memref<1024x128xf32, #tpu.memory_space<vmem>>, %arg8: memref<1024x128xf32, #tpu.memory_space<vmem>>) attributes {dimension_semantics = [#tpu.dimension_semantics<arbitrary>], iteration_bounds = array<i64: 10>, scalar_prefetch = 0 : i64, scratch_operands = 0 : i64, tpu.core_type = #tpu.core_type<tc>, window_params = [{transform_indices = @transform_0, window_bounds = array<i64: 1024, 128>}, {transform_indices = @transform_1, window_bounds = array<i64: 1024, 128>}, {transform_indices = @transform_2, window_bounds = array<i64: 1024, 128>}, {transform_indices = @transform_3, window_bounds = array<i64: 1024, 1>}, {pipeline_mode = #tpu.pipeline_mode<synchronous>, transform_indices = @transform_4, window_bounds = array<i64: 1, 128>}, {pipeline_mode = #tpu.pipeline_mode<synchronous>, transform_indices = @transform_5, window_bounds = array<i64: 128, 128>}, {transform_indices = @transform_6, window_bounds = array<i64: 1024, 128>}, {transform_indices = @transform_7, window_bounds = array<i64: 1024, 128>}]} {
    %get3A = arith.constant 0 : index
    %get3A_0 = arith.constant 0 : index
    %get3A_1 = vector.load %arg4[%get3A, %get3A_0] : memref<1024x1xf32, #tpu.memory_space<vmem>>, vector<1024x1xf32>
    %get3A_2 = arith.constant 0 : index
    %get3A_3 = arith.constant 0 : index
    %get3A_4 = vector.load %arg1[%get3A_2, %get3A_3] : memref<1024x128xf32, #tpu.memory_space<vmem>>, vector<1024x128xf32>
    %get3A_5 = arith.constant 0 : index
    %get3A_6 = arith.constant 0 : index
    %get3A_7 = vector.load %arg2[%get3A_5, %get3A_6] : memref<1024x128xf32, #tpu.memory_space<vmem>>, vector<1024x128xf32>
    %add3A = arith.addf %get3A_4, %get3A_7 : vector<1024x128xf32>
    %get3A_8 = arith.constant 0 : index
    %get3A_9 = arith.constant 0 : index
    %get3A_10 = vector.load %arg3[%get3A_8, %get3A_9] : memref<1024x128xf32, #tpu.memory_space<vmem>>, vector<1024x128xf32>
    %add3A_11 = arith.addf %add3A, %get3A_10 : vector<1024x128xf32>
    %mul3A = vector.broadcast %get3A_1 : vector<1024x1xf32> to vector<1024x128xf32>
    %mul3A_12 = arith.mulf %mul3A, %add3A_11 : vector<1024x128xf32>
    %get3A_13 = arith.constant 0 : index
    %get3A_14 = arith.constant 0 : index
    %get3A_15 = vector.load %arg5[%get3A_13, %get3A_14] : memref<1x128xf32, #tpu.memory_space<vmem>>, vector<1x128xf32>
    %add3A_16 = vector.broadcast %get3A_15 : vector<1x128xf32> to vector<1024x128xf32>
    %add3A_17 = arith.addf %mul3A_12, %add3A_16 : vector<1024x128xf32>
    %gt3A = arith.constant 0.000000e+00 : f32
    %gt3A_18 = vector.broadcast %gt3A : f32 to vector<1024x128xf32>
    %gt3A_19 = arith.cmpf ogt, %add3A_17, %gt3A_18 : vector<1024x128xf32>
    %min3A = arith.constant 0.000000e+00 : f32
    %min3A_20 = vector.broadcast %min3A : f32 to vector<1024x128xf32>
    %min3A_21 = arith.minimumf %add3A_17, %min3A_20 : vector<1024x128xf32>
    %exp3A = math.exp %min3A_21 : vector<1024x128xf32>
    %sub3A = arith.constant 1.000000e+00 : f32
    %sub3A_22 = vector.broadcast %sub3A : f32 to vector<1024x128xf32>
    %sub3A_23 = arith.subf %exp3A, %sub3A_22 : vector<1024x128xf32>
    %select_n3A = arith.select %gt3A_19, %add3A_17, %sub3A_23 : vector<1024x128xi1>, vector<1024x128xf32>
    %swap3A = arith.constant 0 : index
    %swap3A_24 = arith.constant 0 : index
    %swap3A_25 = vector.load %arg7[%swap3A, %swap3A_24] : memref<1024x128xf32, #tpu.memory_space<vmem>>, vector<1024x128xf32>
    tpu.vector_store %arg7[%swap3A, %swap3A_24], %select_n3A {strides = array<i32>} : memref<1024x128xf32, #tpu.memory_space<vmem>>, vector<1024x128xf32>,
    %get3A_26 = arith.constant 0 : index
    %get3A_27 = arith.constant 0 : index
    %get3A_28 = vector.load %arg6[%get3A_26, %get3A_27] : memref<128x128xf32, #tpu.memory_space<vmem>>, vector<128x128xf32>
    %dot_general3A = arith.constant dense<0.000000e+00> : vector<1024x128xf32>
    %dot_general3A_29 = tpu.matmul %select_n3A, %get3A_28, %dot_general3A {dimension_numbers = #tpu.dot_dimension_numbers<[1], [0], [0], [1], [0, 0, 1, 1], [], []>, transpose_lhs_hint = false} : vector<1024x128xf32>, vector<128x128xf32>, vector<1024x128xf32> -> vector<1024x128xf32>
    %mul3A_30 = vector.broadcast %get3A_1 : vector<1024x1xf32> to vector<1024x128xf32>
    %mul3A_31 = arith.mulf %mul3A_30, %dot_general3A_29 : vector<1024x128xf32>
    %swap3A_32 = arith.constant 0 : index
    %swap3A_33 = arith.constant 0 : index
    %swap3A_34 = vector.load %arg8[%swap3A_32, %swap3A_33] : memref<1024x128xf32, #tpu.memory_space<vmem>>, vector<1024x128xf32>
    tpu.vector_store %arg8[%swap3A_32, %swap3A_33], %mul3A_31 {strides = array<i32>} : memref<1024x128xf32, #tpu.memory_space<vmem>>, vector<1024x128xf32>,
    return
  }
  func.func @transform_0(%arg0: i32) -> (i32, i32) {
    %c0_i32 = arith.constant 0 : i32
    %c0_i32_0 = arith.constant 0 : i32
    return %arg0, %c0_i32 : i32, i32
  }
  func.func @transform_1(%arg0: i32) -> (i32, i32) {
    %c0_i32 = arith.constant 0 : i32
    %c0_i32_0 = arith.constant 0 : i32
    return %arg0, %c0_i32 : i32, i32
  }
  func.func @transform_2(%arg0: i32) -> (i32, i32) {
    %c0_i32 = arith.constant 0 : i32
    %c0_i32_0 = arith.constant 0 : i32
    return %arg0, %c0_i32 : i32, i32
  }
  func.func @transform_3(%arg0: i32) -> (i32, i32) {
    %c0_i32 = arith.constant 0 : i32
    %c0_i32_0 = arith.constant 0 : i32
    return %arg0, %c0_i32 : i32, i32
  }
  func.func @transform_4(%arg0: i32) -> (i32, i32) {
    %c0_i32 = arith.constant 0 : i32
    %c0_i32_0 = arith.constant 0 : i32
    %c0_i32_1 = arith.constant 0 : i32
    return %c0_i32, %c0_i32_0 : i32, i32
  }
  func.func @transform_5(%arg0: i32) -> (i32, i32) {
    %c0_i32 = arith.constant 0 : i32
    %c0_i32_0 = arith.constant 0 : i32
    %c0_i32_1 = arith.constant 0 : i32
    return %c0_i32, %c0_i32_0 : i32, i32
  }
  func.func @transform_6(%arg0: i32) -> (i32, i32) {
    %c0_i32 = arith.constant 0 : i32
    %c0_i32_0 = arith.constant 0 : i32
    return %arg0, %c0_i32 : i32, i32
  }
  func.func @transform_7(%arg0: i32) -> (i32, i32) {
    %c0_i32 = arith.constant 0 : i32
    %c0_i32_0 = arith.constant 0 : i32
    return %arg0, %c0_i32 : i32, i32
  }
}

module attributes {stable_mosaic.version = 14 : i64} {
  func.func @_b3_body(%arg0: i32, %arg1: memref<1024x128xf32, #tpu.memory_space<vmem>>, %arg2: memref<1024x128xf32, #tpu.memory_space<vmem>>, %arg3: memref<1024x128xf32, #tpu.memory_space<vmem>>, %arg4: memref<1024x128xf32, #tpu.memory_space<vmem>>, %arg5: memref<1024x1xf32, #tpu.memory_space<vmem>>, %arg6: memref<1x128xf32, #tpu.memory_space<vmem>>, %arg7: memref<128x16xf32, #tpu.memory_space<vmem>>, %arg8: memref<1024x16xf32, #tpu.memory_space<vmem>>) attributes {dimension_semantics = [#tpu.dimension_semantics<arbitrary>], iteration_bounds = array<i64: 10>, scalar_prefetch = 0 : i64, scratch_operands = 0 : i64, tpu.core_type = #tpu.core_type<tc>, window_params = [{transform_indices = @transform_0, window_bounds = array<i64: 1024, 128>}, {transform_indices = @transform_1, window_bounds = array<i64: 1024, 128>}, {transform_indices = @transform_2, window_bounds = array<i64: 1024, 128>}, {transform_indices = @transform_3, window_bounds = array<i64: 1024, 128>}, {transform_indices = @transform_4, window_bounds = array<i64: 1024, 1>}, {pipeline_mode = #tpu.pipeline_mode<synchronous>, transform_indices = @transform_5, window_bounds = array<i64: 1, 128>}, {pipeline_mode = #tpu.pipeline_mode<synchronous>, transform_indices = @transform_6, window_bounds = array<i64: 128, 16>}, {transform_indices = @transform_7, window_bounds = array<i64: 1024, 16>}]} {
    %get3A = arith.constant 0 : index
    %get3A_0 = arith.constant 0 : index
    %get3A_1 = vector.load %arg5[%get3A, %get3A_0] : memref<1024x1xf32, #tpu.memory_space<vmem>>, vector<1024x1xf32>
    %get3A_2 = arith.constant 0 : index
    %get3A_3 = arith.constant 0 : index
    %get3A_4 = vector.load %arg1[%get3A_2, %get3A_3] : memref<1024x128xf32, #tpu.memory_space<vmem>>, vector<1024x128xf32>
    %get3A_5 = arith.constant 0 : index
    %get3A_6 = arith.constant 0 : index
    %get3A_7 = vector.load %arg2[%get3A_5, %get3A_6] : memref<1024x128xf32, #tpu.memory_space<vmem>>, vector<1024x128xf32>
    %add3A = arith.addf %get3A_4, %get3A_7 : vector<1024x128xf32>
    %get3A_8 = arith.constant 0 : index
    %get3A_9 = arith.constant 0 : index
    %get3A_10 = vector.load %arg3[%get3A_8, %get3A_9] : memref<1024x128xf32, #tpu.memory_space<vmem>>, vector<1024x128xf32>
    %add3A_11 = arith.addf %add3A, %get3A_10 : vector<1024x128xf32>
    %mul3A = vector.broadcast %get3A_1 : vector<1024x1xf32> to vector<1024x128xf32>
    %mul3A_12 = arith.mulf %mul3A, %add3A_11 : vector<1024x128xf32>
    %get3A_13 = arith.constant 0 : index
    %get3A_14 = arith.constant 0 : index
    %get3A_15 = vector.load %arg6[%get3A_13, %get3A_14] : memref<1x128xf32, #tpu.memory_space<vmem>>, vector<1x128xf32>
    %add3A_16 = vector.broadcast %get3A_15 : vector<1x128xf32> to vector<1024x128xf32>
    %add3A_17 = arith.addf %mul3A_12, %add3A_16 : vector<1024x128xf32>
    %get3A_18 = arith.constant 0 : index
    %get3A_19 = arith.constant 0 : index
    %get3A_20 = vector.load %arg4[%get3A_18, %get3A_19] : memref<1024x128xf32, #tpu.memory_space<vmem>>, vector<1024x128xf32>
    %add3A_21 = arith.addf %add3A_17, %get3A_20 : vector<1024x128xf32>
    %gt3A = arith.constant 0.000000e+00 : f32
    %gt3A_22 = vector.broadcast %gt3A : f32 to vector<1024x128xf32>
    %gt3A_23 = arith.cmpf ogt, %add3A_21, %gt3A_22 : vector<1024x128xf32>
    %min3A = arith.constant 0.000000e+00 : f32
    %min3A_24 = vector.broadcast %min3A : f32 to vector<1024x128xf32>
    %min3A_25 = arith.minimumf %add3A_21, %min3A_24 : vector<1024x128xf32>
    %exp3A = math.exp %min3A_25 : vector<1024x128xf32>
    %sub3A = arith.constant 1.000000e+00 : f32
    %sub3A_26 = vector.broadcast %sub3A : f32 to vector<1024x128xf32>
    %sub3A_27 = arith.subf %exp3A, %sub3A_26 : vector<1024x128xf32>
    %select_n3A = arith.select %gt3A_23, %add3A_21, %sub3A_27 : vector<1024x128xi1>, vector<1024x128xf32>
    %get3A_28 = arith.constant 0 : index
    %get3A_29 = arith.constant 0 : index
    %get3A_30 = vector.load %arg7[%get3A_28, %get3A_29] : memref<128x16xf32, #tpu.memory_space<vmem>>, vector<128x16xf32>
    %dot_general3A = arith.constant dense<0.000000e+00> : vector<1024x16xf32>
    %dot_general3A_31 = tpu.matmul %select_n3A, %get3A_30, %dot_general3A {dimension_numbers = #tpu.dot_dimension_numbers<[1], [0], [0], [1], [0, 0, 1, 1], [], []>, transpose_lhs_hint = false} : vector<1024x128xf32>, vector<128x16xf32>, vector<1024x16xf32> -> vector<1024x16xf32>
    %mul3A_32 = vector.broadcast %get3A_1 : vector<1024x1xf32> to vector<1024x16xf32>
    %mul3A_33 = arith.mulf %mul3A_32, %dot_general3A_31 : vector<1024x16xf32>
    %swap3A = arith.constant 0 : index
    %swap3A_34 = arith.constant 0 : index
    %swap3A_35 = vector.load %arg8[%swap3A, %swap3A_34] : memref<1024x16xf32, #tpu.memory_space<vmem>>, vector<1024x16xf32>
    tpu.vector_store %arg8[%swap3A, %swap3A_34], %mul3A_33 {strides = array<i32>} : memref<1024x16xf32, #tpu.memory_space<vmem>>, vector<1024x16xf32>,
    return
  }
  func.func @transform_0(%arg0: i32) -> (i32, i32) {
    %c0_i32 = arith.constant 0 : i32
    %c0_i32_0 = arith.constant 0 : i32
    return %arg0, %c0_i32 : i32, i32
  }
  func.func @transform_1(%arg0: i32) -> (i32, i32) {
    %c0_i32 = arith.constant 0 : i32
    %c0_i32_0 = arith.constant 0 : i32
    return %arg0, %c0_i32 : i32, i32
  }
  func.func @transform_2(%arg0: i32) -> (i32, i32) {
    %c0_i32 = arith.constant 0 : i32
    %c0_i32_0 = arith.constant 0 : i32
    return %arg0, %c0_i32 : i32, i32
  }
  func.func @transform_3(%arg0: i32) -> (i32, i32) {
    %c0_i32 = arith.constant 0 : i32
    %c0_i32_0 = arith.constant 0 : i32
    return %arg0, %c0_i32 : i32, i32
  }
  func.func @transform_4(%arg0: i32) -> (i32, i32) {
    %c0_i32 = arith.constant 0 : i32
    %c0_i32_0 = arith.constant 0 : i32
    return %arg0, %c0_i32 : i32, i32
  }
  func.func @transform_5(%arg0: i32) -> (i32, i32) {
    %c0_i32 = arith.constant 0 : i32
    %c0_i32_0 = arith.constant 0 : i32
    %c0_i32_1 = arith.constant 0 : i32
    return %c0_i32, %c0_i32_0 : i32, i32
  }
  func.func @transform_6(%arg0: i32) -> (i32, i32) {
    %c0_i32 = arith.constant 0 : i32
    %c0_i32_0 = arith.constant 0 : i32
    %c0_i32_1 = arith.constant 0 : i32
    return %c0_i32, %c0_i32_0 : i32, i32
  }
  func.func @transform_7(%arg0: i32) -> (i32, i32) {
    %c0_i32 = arith.constant 0 : i32
    %c0_i32_0 = arith.constant 0 : i32
    return %arg0, %c0_i32 : i32, i32
  }
}

module attributes {stable_mosaic.version = 14 : i64} {
  func.func @_b4_body(%arg0: i32, %arg1: memref<1024x16xf32, #tpu.memory_space<vmem>>, %arg2: memref<1024x16xf32, #tpu.memory_space<vmem>>, %arg3: memref<1024x16xf32, #tpu.memory_space<vmem>>, %arg4: memref<1024x1xf32, #tpu.memory_space<vmem>>, %arg5: memref<1x16xf32, #tpu.memory_space<vmem>>, %arg6: memref<1024x16xf32, #tpu.memory_space<vmem>>) attributes {dimension_semantics = [#tpu.dimension_semantics<arbitrary>], iteration_bounds = array<i64: 10>, scalar_prefetch = 0 : i64, scratch_operands = 0 : i64, tpu.core_type = #tpu.core_type<tc>, window_params = [{transform_indices = @transform_0, window_bounds = array<i64: 1024, 16>}, {transform_indices = @transform_1, window_bounds = array<i64: 1024, 16>}, {transform_indices = @transform_2, window_bounds = array<i64: 1024, 16>}, {transform_indices = @transform_3, window_bounds = array<i64: 1024, 1>}, {pipeline_mode = #tpu.pipeline_mode<synchronous>, transform_indices = @transform_4, window_bounds = array<i64: 1, 16>}, {transform_indices = @transform_5, window_bounds = array<i64: 1024, 16>}]} {
    %get3A = arith.constant 0 : index
    %get3A_0 = arith.constant 0 : index
    %get3A_1 = vector.load %arg4[%get3A, %get3A_0] : memref<1024x1xf32, #tpu.memory_space<vmem>>, vector<1024x1xf32>
    %get3A_2 = arith.constant 0 : index
    %get3A_3 = arith.constant 0 : index
    %get3A_4 = vector.load %arg1[%get3A_2, %get3A_3] : memref<1024x16xf32, #tpu.memory_space<vmem>>, vector<1024x16xf32>
    %get3A_5 = arith.constant 0 : index
    %get3A_6 = arith.constant 0 : index
    %get3A_7 = vector.load %arg2[%get3A_5, %get3A_6] : memref<1024x16xf32, #tpu.memory_space<vmem>>, vector<1024x16xf32>
    %add3A = arith.addf %get3A_4, %get3A_7 : vector<1024x16xf32>
    %get3A_8 = arith.constant 0 : index
    %get3A_9 = arith.constant 0 : index
    %get3A_10 = vector.load %arg3[%get3A_8, %get3A_9] : memref<1024x16xf32, #tpu.memory_space<vmem>>, vector<1024x16xf32>
    %add3A_11 = arith.addf %add3A, %get3A_10 : vector<1024x16xf32>
    %mul3A = vector.broadcast %get3A_1 : vector<1024x1xf32> to vector<1024x16xf32>
    %mul3A_12 = arith.mulf %mul3A, %add3A_11 : vector<1024x16xf32>
    %get3A_13 = arith.constant 0 : index
    %get3A_14 = arith.constant 0 : index
    %get3A_15 = vector.load %arg5[%get3A_13, %get3A_14] : memref<1x16xf32, #tpu.memory_space<vmem>>, vector<1x16xf32>
    %add3A_16 = vector.broadcast %get3A_15 : vector<1x16xf32> to vector<1024x16xf32>
    %add3A_17 = arith.addf %mul3A_12, %add3A_16 : vector<1024x16xf32>
    %swap3A = arith.constant 0 : index
    %swap3A_18 = arith.constant 0 : index
    %swap3A_19 = vector.load %arg6[%swap3A, %swap3A_18] : memref<1024x16xf32, #tpu.memory_space<vmem>>, vector<1024x16xf32>
    tpu.vector_store %arg6[%swap3A, %swap3A_18], %add3A_17 {strides = array<i32>} : memref<1024x16xf32, #tpu.memory_space<vmem>>, vector<1024x16xf32>,
    return
  }
  func.func @transform_0(%arg0: i32) -> (i32, i32) {
    %c0_i32 = arith.constant 0 : i32
    %c0_i32_0 = arith.constant 0 : i32
    return %arg0, %c0_i32 : i32, i32
  }
  func.func @transform_1(%arg0: i32) -> (i32, i32) {
    %c0_i32 = arith.constant 0 : i32
    %c0_i32_0 = arith.constant 0 : i32
    return %arg0, %c0_i32 : i32, i32
  }
  func.func @transform_2(%arg0: i32) -> (i32, i32) {
    %c0_i32 = arith.constant 0 : i32
    %c0_i32_0 = arith.constant 0 : i32
    return %arg0, %c0_i32 : i32, i32
  }
  func.func @transform_3(%arg0: i32) -> (i32, i32) {
    %c0_i32 = arith.constant 0 : i32
    %c0_i32_0 = arith.constant 0 : i32
    return %arg0, %c0_i32 : i32, i32
  }
  func.func @transform_4(%arg0: i32) -> (i32, i32) {
    %c0_i32 = arith.constant 0 : i32
    %c0_i32_0 = arith.constant 0 : i32
    %c0_i32_1 = arith.constant 0 : i32
    return %c0_i32, %c0_i32_0 : i32, i32
  }
  func.func @transform_5(%arg0: i32) -> (i32, i32) {
    %c0_i32 = arith.constant 0 : i32
    %c0_i32_0 = arith.constant 0 : i32
    return %arg0, %c0_i32 : i32, i32
  }
}

</mosaic_0001>

<sc_bundles>
// kernel: kernel.10.cloned.1.call-start
scs
__scs_entry_jumppad:
0x0: {  	(pc) =	sbr.rel $0x88, $3  }
0x1: {  	(tag) =	ssettag $0x0;
	lr =	simm.s32 $0x1  }
0x2: {  	[smem:$0x3F99] =	sst lr;
	_ =	strace $0xD0000000  }
0x3: {  	_ = 	snop  }
0x4: {  	_ = 	snop  }
0x5: {  	_ = 	snop  }
0x6: {  	_ = 	snop  }
0x7: {  	_ = 	snop  }
__scs_overlays_trampoline_lowered:
0x8: {  	[smem:$0x3FA8] =	sst s0  }
0x9: {  	[smem:$0x3FA9] =	sst s1  }
0xa: {  	[smem:$0x3FAA] =	sst s2  }
0xb: {  	[smem:$0x3FAB] =	sst s3  }
0xc: {  	[smem:$0x3FAC] =	sst s4  }
0xd: {  	[smem:$0x3FAD] =	sst s5  }
0xe: {  	[smem:$0x3FAE] =	sst s6  }
0xf: {  	[smem:$0x3FAF] =	sst s7  }
0x10: {  	[smem:$0x3FB0] =	sst s8  }
0x11: {  	[smem:$0x3FB1] =	sst s9;
	s0 =	simm.s32 @!p0 $0x0  }
0x12: {  	s1 =	sld [smem:$0x3F97];
	s0 =	simm.s32 @p0 $0x1  }
0x13: {  	[smem:$0x3FB2] =	sst s0;
	s0 =	simm.s32 @!p1 $0x0  }
0x14: {  	s2 =	sld [smem:$0x3F96];
	s0 =	simm.s32 @p1 $0x1  }
0x15: {  	[smem:$0x3FB3] =	sst s0;
	s0 =	simm.s32 @!p2 $0x0  }
0x16: {  	s3 =	sld [smem:$0x3FDB];
	s0 =	simm.s32 @p2 $0x1  }
0x17: {  	s4 =	simm.s32 $0x1BF5;
	[smem:$0x3FB5] =	sst s0  }
0x18: {  	s0 =	sld [smem:$0x3F98];
	_ =	swait.ge [sflag:s4], $0x0  }
0x19: {  	s7 =	sld [smem:$0x3F99]  }
0x1a: {  	s8 =	sadd.s32 $0xFFFFE003, lr  }
0x1b: {  	s9 =	sadd.s32 $0xFFFFFEF7, lr;
	s5 =	simm.s32 $0xFFFFFFFF;
	p2 =	slt.u32 s8, $0xFFFFF086  }
0x1c: {  	p1 =	slt.u32 s9, $0xF7A;
	s5 =	simm.s32 @!p2 $0x0  }
0x1d: {  	s5 =	simm.s32 @p1 $0x1;
	p0 =	seq.s32 s7, s2  }
0x1e: {  	s7 =	smul.u32 @!p0 $0xF7A, s2;
	p2 =	seq.s32 @!p0 s5, $0x0  }
0x1f: {  	s9 =	smul.u32 $0xF7A, s1;
	s8 =	simm.s32 @!p0 $0x1BF5;
	p2 =	por !p2, p0  }
0x20: {  	[sflag:s8] =	ssyncset.s32 @!p0 $0xFFFFF086;
	s6 =	sadd.s32 @!p0 s3, s7;
	s7 =	simm.s32 @!p0 $0x108  }
0x21: {  	s3 =	sadd.s32 s3, s9;
	s6 =	sadd.s32 @!p0 $0x88, s6;
	s7 =	simm.s32 @p2 $0x1082  }
0x22: {  	[simem:s7], [sflag:s8] =	dma.local @!p0 [hbm:s6], $0xF7A  }
0x23: {  	s9 =	sor.u32 $0xD0000000, s2;
	s6 =	simm.s32 $0x108;
	_ =	swait.ge @!p0 [sflag:s8], $0x0  }
0x24: {  	s3 =	sadd.s32 $0x88, s3;
	s6 =	simm.s32 @!p1 $0x1082;
	[sflag:s4] =	ssyncset.s32 $0xFFFFF086  }
0x25: {  	[simem:s6], [sflag:s4] =	dma.local [hbm:s3], $0xF7A  }
0x26: {  	[smem:$0x3F99] =	sst s1;
	(tag) =	ssettag s2;
	_ =	strace s9  }
0x27: {  	s1 =	sld [smem:$0x3FA9]  }
0x28: {  	s2 =	sld [smem:$0x3FAA]  }
0x29: {  	s4 =	sld [smem:$0x3FAC]  }
0x2a: {  	p0 =	seq.s32 s5, $0x0;
	s5 =	sld [smem:$0x3FAD]  }
0x2b: {  	s6 =	sld [smem:$0x3FAE]  }
0x2c: {  	s7 =	sld [smem:$0x3FAF]  }
0x2d: {  	s3 =	simm.s32 $0x108;
	s8 =	sld [smem:$0x3FB0]  }
0x2e: {  	s3 =	simm.s32 @!p0 $0x1082;
	s9 =	sld [smem:$0x3FB1]  }
0x2f: {  	lr =	sadd.s32 s0, s3;
	s0 =	sld [smem:$0x3FA8]  }
0x30: {  	s3 =	sld [smem:$0x3FAB]  }
0x31: {  	[smem:$0x3FB4] =	sst s10  }
0x32: {  	s10 =	sld [smem:$0x3FB2];
	_ =	sdelay $0x3  }
0x33: {  	p0 =	seq.s32 s10, $0x1;
	s10 =	sld [smem:$0x3FB4];
	_ =	sdelay $0x3  }
0x34: {  	[smem:$0x3FB4] =	sst s10  }
0x35: {  	s10 =	sld [smem:$0x3FB3];
	_ =	sdelay $0x3  }
0x36: {  	p1 =	seq.s32 s10, $0x1;
	s10 =	sld [smem:$0x3FB4];
	_ =	sdelay $0x3  }
0x37: {  	[smem:$0x3FB4] =	sst s10  }
0x38: {  	s10 =	sld [smem:$0x3FB5]  }
0x39: {  	_ = 	snop;
	(pc) =	sbr.ind lr, $3  }
0x3a: {  	_ = 	snop  }
0x3b: {  	_ = 	snop  }
0x3c: {  	p2 =	seq.s32 s10, $0x1;
	s10 =	sld [smem:$0x3FB4]  }
0x3d: {  	_ =	shalt  }
0x3e: {  	_ =	shalt  }
0x3f: {  	_ =	shalt  }
0x40: {  	_ =	shalt  }
0x41: {  	_ =	shalt  }
0x42: {  	_ =	shalt  }
0x43: {  	_ =	shalt  }
0x44: {  	_ =	shalt  }
0x45: {  	_ =	shalt  }
0x46: {  	_ =	shalt  }
0x47: {  	_ =	shalt  }
0x48: {  	_ =	shalt  }
0x49: {  	_ =	shalt  }
0x4a: {  	_ =	shalt  }
0x4b: {  	_ =	shalt  }
0x4c: {  	_ =	shalt  }
0x4d: {  	_ =	shalt  }
0x4e: {  	_ =	shalt  }
0x4f: {  	_ =	shalt  }
0x50: {  	_ =	shalt  }
0x51: {  	_ =	shalt  }
0x52: {  	_ =	shalt  }
0x53: {  	_ =	shalt  }
0x54: {  	_ =	shalt  }
0x55: {  	_ =	shalt  }
0x56: {  	_ =	shalt  }
0x57: {  	_ =	shalt  }
0x58: {  	_ =	shalt  }
0x59: {  	_ =	shalt  }
0x5a: {  	_ =	shalt  }
0x5b: {  	_ =	shalt  }
0x5c: {  	_ =	shalt  }
0x5d: {  	_ =	shalt  }
0x5e: {  	_ =	shalt  }
0x5f: {  	_ =	shalt  }
0x60: {  	_ =	shalt  }
0x61: {  	_ =	shalt  }
0x62: {  	_ =	shalt  }
0x63: {  	_ =	shalt  }
0x64: {  	_ =	shalt  }
0x65: {  	_ =	shalt  }
0x66: {  	_ =	shalt  }
0x67: {  	_ =	shalt  }
0x68: {  	_ =	shalt  }
0x69: {  	_ =	shalt  }
0x6a: {  	_ =	shalt  }
0x6b: {  	_ =	shalt  }
0x6c: {  	_ =	shalt  }
0x6d: {  	_ =	shalt  }
0x6e: {  	_ =	shalt  }
0x6f: {  	_ =	shalt  }
0x70: {  	_ =	shalt  }
0x71: {  	_ =	shalt  }
0x72: {  	_ =	shalt  }
0x73: {  	_ =	shalt  }
0x74: {  	_ =	shalt  }
0x75: {  	_ =	shalt  }
0x76: {  	_ =	shalt  }
0x77: {  	_ =	shalt  }
0x78: {  	_ =	shalt  }
0x79: {  	_ =	shalt  }
0x7a: {  	_ =	shalt  }
0x7b: {  	_ =	shalt  }
0x7c: {  	_ =	shalt  }
0x7d: {  	_ =	shalt  }
0x7e: {  	_ =	shalt  }
0x7f: {  	_ =	shalt  }
0x80: {  	_ =	shalt  }
0x81: {  	_ =	shalt  }
0x82: {  	_ =	shalt  }
0x83: {  	_ =	shalt  }
0x84: {  	_ =	shalt  }
0x85: {  	_ =	shalt  }
0x86: {  	_ =	shalt  }
0x87: {  	_ =	shalt  }
.Lfunc_end0:
.L_simem_size_0:
called_computation_lowered:
.L_overlay_start_0:
0x88: {  	s2 =	sld [smem:$0x3FD9]  }
0x89: {  	s3 =	sld [smem:$0x3FFE];
	_ =	sdelay $0x1  }
0x8a: {  	s1 =	srdreg.scid  }
0x8b: {  	s0 =	sand.u32 $0x1, s1  }
0x8c: {  	s16 =	sshll.u32 s0, $0xA;
	s2 =	sadd.s32 s3, s2  }
0x8d: {  	s2 =	sadd.s32 s2, s16  }
0x8e: {  	[smem:$0x3FC0] =	sst s2  }
0x8f: {  	_ = 	snop  }
0x90: {  	(tm) =	ssettm $0x1  }
0x91: {  	s17 =	sld [smem:$0x3FFB];
	_ =	sdelay $0x3  }
0x92: {  	_ =	strace s17  }
0x93: {  	s2 =	sld [smem:$0x3FFC];
	_ =	sdelay $0x3  }
0x94: {  	_ =	strace s2  }
0x95: {  	s2 =	sld [smem:$0x3FFD];
	_ =	sdelay $0x3  }
0x96: {  	_ =	strace s2  }
0x97: {  	_ =	strace $0x8FFFFFFF  }
0x98: {  	s18 =	sld [smem:$0x3FDB];
	_ =	sdelay $0x1  }
0x99: {  	s19 =	simm.s32 $_scs_section_size  }
0x9a: {  	s4 =	simm.s32 $_size__tile_overlayer_lowered;
	s5 =	simm.s32 $_tile_overlayer_lowered  }
0x9b: {  	s22 =	simm.s32 $0x1BFF;
	s21 =	sshll.u32 s5, $0x1;
	s2 =	sadd.s32 s19, s18  }
0x9c: {  	s6 =	simm.s32 $0x0;
	s20 =	sshll.u32 s4, $0x1;
	s4 =	sadd.s32 s21, s2  }
0x9d: {  	[timem:s6], [sflag:s22] =	dma.local [hbm:s4], s20  }
0x9e: {  	_ =	swait.ge [sflag:s22], s20  }
0x9f: {  	s3 =	ssub.s32 $0x0, s20;
	[sflag:s22] =	ssyncset.done $0x0  }
0xa0: {  	[sflag:s22] =	ssyncadd.s32 s3;
	_ =	sdelay $0x1  }
0xa1: {  	s23 =	simm.s32 $0x1B8B  }
0xa2: {  	_ =	swait.ge [sflag:s23], $0x1  }
0xa3: {  	[sflag:s23] =	ssyncset.done $0x0  }
0xa4: {  	s25 =	simm.s32 $0x1B8E;
	s24 =	sld [smem:$0x3FFE];
	[sflag:s23] =	ssyncadd.s32 $0xFFFFFFFF  }
0xa5: {  	s26 =	simm.s32 $execute0_lowered;
	[smem:$0x3FD2] =	sst s25  }
0xa6: {  	s4 =	sshll.u32 s26, $0x1;
	_ =	strace $0x80000046;
	[dreg:$0x1] =	wrdreg $0xFFFFFFFF  }
0xa7: {  	s28 =	simm.s32 $_size_execute0_lowered;
	s2 =	sadd.s32 s2, s4;
	[dreg:$0x0] =	wrdreg $0x0  }
0xa8: {  	s4 =	sshll.u32 s28, $0x1;
	[dreg:$0x2] =	wrdreg s2  }
0xa9: {  	[dreg:$0x3] =	wrdreg s4  }
0xaa: {  	[dreg:$0x4] =	wrdreg $0xC0  }
0xab: {  	_ =	task [dreg:s6], $0x5FFFF  }
0xac: {  	[dreg:$0x1] =	wrdreg $0xFFFFFFFF  }
0xad: {  	[dreg:$0x0] =	wrdreg $0x60  }
0xae: {  	[dreg:$0x2] =	wrdreg s24  }
0xaf: {  	[dreg:$0x3] =	wrdreg $0x9  }
0xb0: {  	_ =	task.clear_ibuf [dreg:s6], $0x4FFFF;
	_ =	strace $0x90000046  }
0xb1: {  	s29 =	simm.s32 $0x9;
	_ =	strace $0x80000048  }
0xb2: {  	_ =	swait.ge [sflag:s29], $0x1  }
0xb3: {  	[sflag:s29] =	ssyncadd.s32 $0xFFFFFFFF  }
0xb4: {  	_ =	strace $0x90000048  }
0xb5: {  	_ =	sfence  }
0xb6: {  	s30 =	sld [smem:$0x0];
	_ =	sdelay $0x2  }
0xb7: {  	s31 =	sshll.u32 s1, $0xD;
	s1 =	sshrl.u32 s1, $0x2  }
0xb8: {  	s3 =	sand.u32 $0x4000, s31;
	s1 =	sadd.s32 s1, s30  }
0xb9: {  	s0 =	sor.u32 s3, s0;
	s1 =	sshll.u32 s1, $0x11  }
0xba: {  	s0 =	sor.u32 s1, s0  }
0xbb: {  	s0 =	sadd.s32 $0x8F2B, s0  }
0xbc: {  	[sflag:s0] =	ssyncadd.remote.s32 $0x1  }
0xbd: {  	_ =	sfence.sel $0xFFFF  }
0xbe: {  	[dreg:$0x0] =	wrdreg $0xFFFFFFFF;
	(pc) =	sbr.abs _section_cstart, $3  }
0xbf: {  	[dreg:$0x1] =	wrdreg $0xFFFFFFFF  }
0xc0: {  	_ =	task.clear_ibuf [dreg:s6], $0x2FFFF;
	_ =	strace $0x9FFFFFFF  }
0xc1: {  	(tm) =	ssettm $0x7FFFFFFF  }
tec
execute0_lowered:
.L_overlay_start_1:
0x0: {  	(tag) =	ssettag $0x1  }
0x1: {  	s1 =	srdreg.scid;
	s0 =	stileid.u32  }
0x2: {  	s4 =	rddreg [dreg:$0x0];
	s3 =	sand.u32 $0x1, s1;
	s30 =	sshll.u32 s0, $0x1  }
0x3: {  	s2 =	simm.s32 $0x0;
	s8 =	simm.s32 $0x0;
	s5 =	sor.u32 s3, s30  }
0x4: {  	s1 =	rddreg [dreg:$0x1];
	s3 =	ssub.s32 $0x2, s3;
	s6 =	smul.u32 $0x4F0, s5  }
0x5: {  	[smem:$0x7FF] =	sst s2;
	s5 =	smul.u32 $0x500, s5;
	s7 =	sshrl.u32 s3, $0x1  }
0x6: {  	_ =	strace $0x80000047;
	s31 =	ssub.s32 s3, s7;
	s7 =	simm.s32 $0x2780  }
0x7: {  	s6 =	sadd.s32 s6, s4;
	s4 =	sadd.s32 s5, s4;
	s5 =	smax.u32 s31, $0x1  }
0x8: {  	v0 =	vimm.f32 $0.0e+00;
	v1 =	vimm.f32 $1.000000000e+00;
	s3 =	sadd.s32 $0x2A00, s6;
	s4 =	sadd.s32 $0xC800, s4;
	s6 =	simm.s32 $0x1  }
.LBB2_1:
0x9: {  	[tilespmem:s2], [sflag:$0x1] =	stream.linear.gather [hbm4b:s3+s2], $0x2780, $0x38;
	[tilespmem:$0x4F80] =	vst v63  }
0xa: {  	_ =	swait.ge [sflag:s6], $0x2780  }
0xb: {  	[sflag:s6] =	ssyncset.done $0x0  }
0xc: {  	s9 =	simm.s32 $0x0;
	[sflag:s6] =	ssyncadd.s32 $0xFFFFD880  }
.LBB2_2:
0xd: {  	p0 =	sne.s32 s9, $0x9FC0  }
.Ltmp0:
0xe: {  	_ = 	snop;
	(pc) =	sbr.rel @p0 .LBB2_2-.Ltmp0, $3  }
0xf: {  	_ =	sdelay $0x1  }
0x10: {  	s10 =	sshra.s32 s9, $0x2  }
0x11: {  	s9 =	sadd.s32 $0x40, s9;
	[tilespmem:s10+$0x2780] =	vst v0  }
0x12: {  	s9 =	simm.s32 $0x0  }
.LBB2_4:
0x13: {  	s10 =	sshra.s32 s9, $0x2  }
0x14: {  	v2 =	vld [tilespmem:s10+$0x0];
	_ =	sdelay $0x7  }
0x15: {  	[tilespmem:v2+s7+$0x0] =	vst.idx.add.f32.msk $0xffff, v1  }
0x16: {  	v2 =	vld [tilespmem:s10+$0x10];
	_ =	sdelay $0x7  }
0x17: {  	[tilespmem:v2+s7+$0x0] =	vst.idx.add.f32.msk $0xffff, v1  }
0x18: {  	v2 =	vld [tilespmem:s10+$0x20];
	_ =	sdelay $0x7  }
0x19: {  	[tilespmem:v2+s7+$0x0] =	vst.idx.add.f32.msk $0xffff, v1  }
0x1a: {  	v2 =	vld [tilespmem:s10+$0x30];
	_ =	sdelay $0x7  }
0x1b: {  	[tilespmem:v2+s7+$0x0] =	vst.idx.add.f32.msk $0xffff, v1  }
0x1c: {  	v2 =	vld [tilespmem:s10+$0x40];
	_ =	sdelay $0x7  }
0x1d: {  	[tilespmem:v2+s7+$0x0] =	vst.idx.add.f32.msk $0xffff, v1  }
0x1e: {  	v2 =	vld [tilespmem:s10+$0x50];
	_ =	sdelay $0x7  }
0x1f: {  	[tilespmem:v2+s7+$0x0] =	vst.idx.add.f32.msk $0xffff, v1  }
0x20: {  	v2 =	vld [tilespmem:s10+$0x60];
	_ =	sdelay $0x7  }
0x21: {  	[tilespmem:v2+s7+$0x0] =	vst.idx.add.f32.msk $0xffff, v1  }
0x22: {  	v2 =	vld [tilespmem:s10+$0x70];
	_ =	sdelay $0x2  }
0x23: {  	p0 =	sne.s32 s9, $0x9C00  }
.Ltmp1:
0x24: {  	_ = 	snop;
	(pc) =	sbr.rel @p0 .LBB2_4-.Ltmp1, $2  }
0x25: {  	_ =	sdelay $0x2  }
0x26: {  	s9 =	sadd.s32 $0x200, s9;
	[tilespmem:v2+s7+$0x0] =	vst.idx.add.f32.msk $0xffff, v1  }
0x27: {  	s8 =	sadd.s32 $0x1, s8  }
0x28: {  	p0 =	sne.s32 s8, s5  }
.Ltmp2:
0x29: {  	_ = 	snop;
	(pc) =	sbr.rel @p0 .LBB2_1-.Ltmp2, $4  }
0x2a: {  	[hbm4b:s4+s2] =	stream.linear.scatter [tilespmem:s7], [sflag:$0x1], $0x2800, $0x38;
	[tilespmem:$0x4F80] =	vst v63  }
0x2b: {  	_ =	swait.ge [sflag:s6], $0x2800  }
0x2c: {  	[sflag:s6] =	ssyncset.done $0x0  }
0x2d: {  	[sflag:s6] =	ssyncadd.s32 $0xFFFFD800  }
0x2e: {  	_ =	sfence.sel $0x180000  }
0x2f: {  	[bflag:$0x0] =	sbarrier.arrive $0xFFFF  }
0x30: {  	p0 =	sne.s32 s0, $0x0;
	_ =	strace $0x90000047  }
0x31: {  	s0 =	sadd.s32 @!p0 $0x100000, s1;
	[bflag:$0x2] =	sbarrier.arrive $0xFFFF  }
0x32: {  	[sflag:s0] =	ssyncadd.tile.s32 @!p0 $0x1;
	_ =	shalt  }
.Lfunc_end2:
_tile_overlayer_lowered:
.L_overlay_start_2:
0x33: {  	(tag) =	ssettag $0x2  }
0x34: {  	s0 =	rddreg [dreg:$0x0];
	s2 =	stileid.u32  }
0x35: {  	s1 =	rddreg [dreg:$0x1];
	p0 =	sne.s32 s2, $0x0  }
0x36: {  	s3 =	rddreg [dreg:$0x2];
	[bflag:$0x3] =	sbarrier.arrive $0xFFFF;
	s2 =	simm.s32 @!p0 $0x1C01  }
0x37: {  	[timem:s3], [sflag:s2] =	dma.local @!p0 [hbm:s0], s1  }
0x38: {  	s0 =	simm.s32 @!p0 $0x1  }
0x39: {  	_ =	swait.ge @!p0 [sflag:s0], s1  }
0x3a: {  	s1 =	ssub.s32 @!p0 $0x0, s1;
	[sflag:s0] =	ssyncset.done @!p0 $0x0  }
0x3b: {  	[sflag:s0] =	ssyncadd.s32 @!p0 s1  }
0x3c: {  	[bflag:$0x3] =	sbarrier.arrive $0xFFFF  }
0x3d: {  	_ =	shalt  }

// kernel: kernel.13.cloned.1.call-start
scs
__scs_entry_jumppad:
0x0: {  	(pc) =	sbr.rel $0x88, $3  }
0x1: {  	(tag) =	ssettag $0x0;
	lr =	simm.s32 $0x1  }
0x2: {  	[smem:$0x3F99] =	sst lr;
	_ =	strace $0xD0000000  }
0x3: {  	_ = 	snop  }
0x4: {  	_ = 	snop  }
0x5: {  	_ = 	snop  }
0x6: {  	_ = 	snop  }
0x7: {  	_ = 	snop  }
__scs_overlays_trampoline_lowered:
0x8: {  	[smem:$0x3FA8] =	sst s0  }
0x9: {  	[smem:$0x3FA9] =	sst s1  }
0xa: {  	[smem:$0x3FAA] =	sst s2  }
0xb: {  	[smem:$0x3FAB] =	sst s3  }
0xc: {  	[smem:$0x3FAC] =	sst s4  }
0xd: {  	[smem:$0x3FAD] =	sst s5  }
0xe: {  	[smem:$0x3FAE] =	sst s6  }
0xf: {  	[smem:$0x3FAF] =	sst s7  }
0x10: {  	[smem:$0x3FB0] =	sst s8  }
0x11: {  	[smem:$0x3FB1] =	sst s9;
	s0 =	simm.s32 @!p0 $0x0  }
0x12: {  	s1 =	sld [smem:$0x3F97];
	s0 =	simm.s32 @p0 $0x1  }
0x13: {  	[smem:$0x3FB2] =	sst s0;
	s0 =	simm.s32 @!p1 $0x0  }
0x14: {  	s2 =	sld [smem:$0x3F96];
	s0 =	simm.s32 @p1 $0x1  }
0x15: {  	[smem:$0x3FB3] =	sst s0;
	s0 =	simm.s32 @!p2 $0x0  }
0x16: {  	s3 =	sld [smem:$0x3FDB];
	s0 =	simm.s32 @p2 $0x1  }
0x17: {  	s4 =	simm.s32 $0x1BF5;
	[smem:$0x3FB5] =	sst s0  }
0x18: {  	s0 =	sld [smem:$0x3F98];
	_ =	swait.ge [sflag:s4], $0x0  }
0x19: {  	s7 =	sld [smem:$0x3F99]  }
0x1a: {  	s8 =	sadd.s32 $0xFFFFE003, lr  }
0x1b: {  	s9 =	sadd.s32 $0xFFFFFEF7, lr;
	s5 =	simm.s32 $0xFFFFFFFF;
	p2 =	slt.u32 s8, $0xFFFFF086  }
0x1c: {  	p1 =	slt.u32 s9, $0xF7A;
	s5 =	simm.s32 @!p2 $0x0  }
0x1d: {  	s5 =	simm.s32 @p1 $0x1;
	p0 =	seq.s32 s7, s2  }
0x1e: {  	s7 =	smul.u32 @!p0 $0xF7A, s2;
	p2 =	seq.s32 @!p0 s5, $0x0  }
0x1f: {  	s9 =	smul.u32 $0xF7A, s1;
	s8 =	simm.s32 @!p0 $0x1BF5;
	p2 =	por !p2, p0  }
0x20: {  	[sflag:s8] =	ssyncset.s32 @!p0 $0xFFFFF086;
	s6 =	sadd.s32 @!p0 s3, s7;
	s7 =	simm.s32 @!p0 $0x108  }
0x21: {  	s3 =	sadd.s32 s3, s9;
	s6 =	sadd.s32 @!p0 $0x88, s6;
	s7 =	simm.s32 @p2 $0x1082  }
0x22: {  	[simem:s7], [sflag:s8] =	dma.local @!p0 [hbm:s6], $0xF7A  }
0x23: {  	s9 =	sor.u32 $0xD0000000, s2;
	s6 =	simm.s32 $0x108;
	_ =	swait.ge @!p0 [sflag:s8], $0x0  }
0x24: {  	s3 =	sadd.s32 $0x88, s3;
	s6 =	simm.s32 @!p1 $0x1082;
	[sflag:s4] =	ssyncset.s32 $0xFFFFF086  }
0x25: {  	[simem:s6], [sflag:s4] =	dma.local [hbm:s3], $0xF7A  }
0x26: {  	[smem:$0x3F99] =	sst s1;
	(tag) =	ssettag s2;
	_ =	strace s9  }
0x27: {  	s1 =	sld [smem:$0x3FA9]  }
0x28: {  	s2 =	sld [smem:$0x3FAA]  }
0x29: {  	s4 =	sld [smem:$0x3FAC]  }
0x2a: {  	p0 =	seq.s32 s5, $0x0;
	s5 =	sld [smem:$0x3FAD]  }
0x2b: {  	s6 =	sld [smem:$0x3FAE]  }
0x2c: {  	s7 =	sld [smem:$0x3FAF]  }
0x2d: {  	s3 =	simm.s32 $0x108;
	s8 =	sld [smem:$0x3FB0]  }
0x2e: {  	s3 =	simm.s32 @!p0 $0x1082;
	s9 =	sld [smem:$0x3FB1]  }
0x2f: {  	lr =	sadd.s32 s0, s3;
	s0 =	sld [smem:$0x3FA8]  }
0x30: {  	s3 =	sld [smem:$0x3FAB]  }
0x31: {  	[smem:$0x3FB4] =	sst s10  }
0x32: {  	s10 =	sld [smem:$0x3FB2];
	_ =	sdelay $0x3  }
0x33: {  	p0 =	seq.s32 s10, $0x1;
	s10 =	sld [smem:$0x3FB4];
	_ =	sdelay $0x3  }
0x34: {  	[smem:$0x3FB4] =	sst s10  }
0x35: {  	s10 =	sld [smem:$0x3FB3];
	_ =	sdelay $0x3  }
0x36: {  	p1 =	seq.s32 s10, $0x1;
	s10 =	sld [smem:$0x3FB4];
	_ =	sdelay $0x3  }
0x37: {  	[smem:$0x3FB4] =	sst s10  }
0x38: {  	s10 =	sld [smem:$0x3FB5]  }
0x39: {  	_ = 	snop;
	(pc) =	sbr.ind lr, $3  }
0x3a: {  	_ = 	snop  }
0x3b: {  	_ = 	snop  }
0x3c: {  	p2 =	seq.s32 s10, $0x1;
	s10 =	sld [smem:$0x3FB4]  }
0x3d: {  	_ =	shalt  }
0x3e: {  	_ =	shalt  }
0x3f: {  	_ =	shalt  }
0x40: {  	_ =	shalt  }
0x41: {  	_ =	shalt  }
0x42: {  	_ =	shalt  }
0x43: {  	_ =	shalt  }
0x44: {  	_ =	shalt  }
0x45: {  	_ =	shalt  }
0x46: {  	_ =	shalt  }
0x47: {  	_ =	shalt  }
0x48: {  	_ =	shalt  }
0x49: {  	_ =	shalt  }
0x4a: {  	_ =	shalt  }
0x4b: {  	_ =	shalt  }
0x4c: {  	_ =	shalt  }
0x4d: {  	_ =	shalt  }
0x4e: {  	_ =	shalt  }
0x4f: {  	_ =	shalt  }
0x50: {  	_ =	shalt  }
0x51: {  	_ =	shalt  }
0x52: {  	_ =	shalt  }
0x53: {  	_ =	shalt  }
0x54: {  	_ =	shalt  }
0x55: {  	_ =	shalt  }
0x56: {  	_ =	shalt  }
0x57: {  	_ =	shalt  }
0x58: {  	_ =	shalt  }
0x59: {  	_ =	shalt  }
0x5a: {  	_ =	shalt  }
0x5b: {  	_ =	shalt  }
0x5c: {  	_ =	shalt  }
0x5d: {  	_ =	shalt  }
0x5e: {  	_ =	shalt  }
0x5f: {  	_ =	shalt  }
0x60: {  	_ =	shalt  }
0x61: {  	_ =	shalt  }
0x62: {  	_ =	shalt  }
0x63: {  	_ =	shalt  }
0x64: {  	_ =	shalt  }
0x65: {  	_ =	shalt  }
0x66: {  	_ =	shalt  }
0x67: {  	_ =	shalt  }
0x68: {  	_ =	shalt  }
0x69: {  	_ =	shalt  }
0x6a: {  	_ =	shalt  }
0x6b: {  	_ =	shalt  }
0x6c: {  	_ =	shalt  }
0x6d: {  	_ =	shalt  }
0x6e: {  	_ =	shalt  }
0x6f: {  	_ =	shalt  }
0x70: {  	_ =	shalt  }
0x71: {  	_ =	shalt  }
0x72: {  	_ =	shalt  }
0x73: {  	_ =	shalt  }
0x74: {  	_ =	shalt  }
0x75: {  	_ =	shalt  }
0x76: {  	_ =	shalt  }
0x77: {  	_ =	shalt  }
0x78: {  	_ =	shalt  }
0x79: {  	_ =	shalt  }
0x7a: {  	_ =	shalt  }
0x7b: {  	_ =	shalt  }
0x7c: {  	_ =	shalt  }
0x7d: {  	_ =	shalt  }
0x7e: {  	_ =	shalt  }
0x7f: {  	_ =	shalt  }
0x80: {  	_ =	shalt  }
0x81: {  	_ =	shalt  }
0x82: {  	_ =	shalt  }
0x83: {  	_ =	shalt  }
0x84: {  	_ =	shalt  }
0x85: {  	_ =	shalt  }
0x86: {  	_ =	shalt  }
0x87: {  	_ =	shalt  }
.Lfunc_end0:
.L_simem_size_0:
called_computation.1_lowered:
.L_overlay_start_0:
0x88: {  	s2 =	sld [smem:$0x3FD9]  }
0x89: {  	s3 =	sld [smem:$0x3FFE];
	_ =	sdelay $0x1  }
0x8a: {  	s1 =	srdreg.scid  }
0x8b: {  	s0 =	sand.u32 $0x1, s1  }
0x8c: {  	s16 =	sshll.u32 s0, $0xA;
	s2 =	sadd.s32 s3, s2  }
0x8d: {  	s2 =	sadd.s32 s2, s16  }
0x8e: {  	[smem:$0x3FC0] =	sst s2  }
0x8f: {  	_ = 	snop  }
0x90: {  	(tm) =	ssettm $0x1  }
0x91: {  	s17 =	sld [smem:$0x3FFB];
	_ =	sdelay $0x3  }
0x92: {  	_ =	strace s17  }
0x93: {  	s2 =	sld [smem:$0x3FFC];
	_ =	sdelay $0x3  }
0x94: {  	_ =	strace s2  }
0x95: {  	s2 =	sld [smem:$0x3FFD];
	_ =	sdelay $0x3  }
0x96: {  	_ =	strace s2  }
0x97: {  	_ =	strace $0x8FFFFFFF  }
0x98: {  	s18 =	sld [smem:$0x3FDB];
	_ =	sdelay $0x1  }
0x99: {  	s19 =	simm.s32 $_scs_section_size  }
0x9a: {  	s4 =	simm.s32 $_size__tile_overlayer_lowered;
	s5 =	simm.s32 $_tile_overlayer_lowered  }
0x9b: {  	s22 =	simm.s32 $0x1BFF;
	s21 =	sshll.u32 s5, $0x1;
	s2 =	sadd.s32 s19, s18  }
0x9c: {  	s6 =	simm.s32 $0x0;
	s20 =	sshll.u32 s4, $0x1;
	s4 =	sadd.s32 s21, s2  }
0x9d: {  	[timem:s6], [sflag:s22] =	dma.local [hbm:s4], s20  }
0x9e: {  	_ =	swait.ge [sflag:s22], s20  }
0x9f: {  	s3 =	ssub.s32 $0x0, s20;
	[sflag:s22] =	ssyncset.done $0x0  }
0xa0: {  	[sflag:s22] =	ssyncadd.s32 s3;
	_ =	sdelay $0x1  }
0xa1: {  	s23 =	simm.s32 $0x1B8B  }
0xa2: {  	_ =	swait.ge [sflag:s23], $0x1  }
0xa3: {  	[sflag:s23] =	ssyncset.done $0x0  }
0xa4: {  	s25 =	simm.s32 $0x1B8E;
	s24 =	sld [smem:$0x3FFE];
	[sflag:s23] =	ssyncadd.s32 $0xFFFFFFFF  }
0xa5: {  	s26 =	simm.s32 $execute0_lowered;
	[smem:$0x3FD2] =	sst s25  }
0xa6: {  	s4 =	sshll.u32 s26, $0x1;
	_ =	strace $0x80000049;
	[dreg:$0x1] =	wrdreg $0xFFFFFFFF  }
0xa7: {  	s28 =	simm.s32 $_size_execute0_lowered;
	s2 =	sadd.s32 s2, s4;
	[dreg:$0x0] =	wrdreg $0x0  }
0xa8: {  	s4 =	sshll.u32 s28, $0x1;
	[dreg:$0x2] =	wrdreg s2  }
0xa9: {  	[dreg:$0x3] =	wrdreg s4  }
0xaa: {  	[dreg:$0x4] =	wrdreg $0xC0  }
0xab: {  	_ =	task [dreg:s6], $0x5FFFF  }
0xac: {  	[dreg:$0x1] =	wrdreg $0xFFFFFFFF  }
0xad: {  	[dreg:$0x0] =	wrdreg $0x60  }
0xae: {  	[dreg:$0x2] =	wrdreg s24  }
0xaf: {  	[dreg:$0x3] =	wrdreg $0x8F000  }
0xb0: {  	[dreg:$0x4] =	wrdreg $0x9  }
0xb1: {  	_ =	task.clear_ibuf [dreg:s6], $0x5FFFF;
	_ =	strace $0x90000049  }
0xb2: {  	s29 =	simm.s32 $0x9;
	_ =	strace $0x8000004B  }
0xb3: {  	_ =	swait.ge [sflag:s29], $0x1  }
0xb4: {  	[sflag:s29] =	ssyncadd.s32 $0xFFFFFFFF  }
0xb5: {  	_ =	strace $0x9000004B  }
0xb6: {  	_ =	sfence  }
0xb7: {  	s30 =	sld [smem:$0x0];
	_ =	sdelay $0x2  }
0xb8: {  	s31 =	sshll.u32 s1, $0xD;
	s1 =	sshrl.u32 s1, $0x2  }
0xb9: {  	s3 =	sand.u32 $0x4000, s31;
	s1 =	sadd.s32 s1, s30  }
0xba: {  	s0 =	sor.u32 s3, s0;
	s1 =	sshll.u32 s1, $0x11  }
0xbb: {  	s0 =	sor.u32 s1, s0  }
0xbc: {  	s0 =	sadd.s32 $0x8F2B, s0  }
0xbd: {  	[sflag:s0] =	ssyncadd.remote.s32 $0x1  }
0xbe: {  	_ =	sfence.sel $0xFFFF  }
0xbf: {  	[dreg:$0x0] =	wrdreg $0xFFFFFFFF;
	(pc) =	sbr.abs _section_cstart, $3  }
0xc0: {  	[dreg:$0x1] =	wrdreg $0xFFFFFFFF  }
0xc1: {  	_ =	task.clear_ibuf [dreg:s6], $0x2FFFF;
	_ =	strace $0x9FFFFFFF  }
0xc2: {  	(tm) =	ssettm $0x7FFFFFFF  }
0xc3: {  	_ =	shalt  }
tec
execute0_lowered:
.L_overlay_start_1:
0x0: {  	(tag) =	ssettag $0x1  }
0x1: {  	s5 =	rddreg [dreg:$0x0]  }
0x2: {  	s2 =	rddreg [dreg:$0x1]  }
0x3: {  	s0 =	rddreg [dreg:$0x2]  }
0x4: {  	s3 =	simm.s32 $0x0;
	s4 =	srdreg.scid;
	s1 =	stileid.u32  }
0x5: {  	s14 =	simm.s32 $0x1;
	s15 =	simm.s32 $0x2780;
	s16 =	simm.s32 $0x4F00  }
0x6: {  	s17 =	simm.s32 $0x80;
	s20 =	simm.s32 $0x0;
	s6 =	sand.u32 $0x1, s4  }
0x7: {  	s29 =	sshll.u32 s1, $0x1;
	s7 =	smul.u32 $0x14000, s1;
	[smem:$0x7FF] =	sst s3  }
0x8: {  	s4 =	sadd.s32 $0x20600, s5;
	s10 =	smul.u32 $0x50000, s1;
	s18 =	sshll.u32 s1, $0x6  }
0x9: {  	s8 =	sor.u32 s6, s29;
	s9 =	smul.u32 $0x140000, s6;
	_ =	strace $0x8000004A  }
0xa: {  	s6 =	ssub.s32 $0x2, s6;
	s18 =	sor.u32 $0x1C01, s18;
	s8 =	smul.u32 $0x4F0, s8  }
0xb: {  	s11 =	sshrl.u32 s6, $0x1;
	s30 =	sshrl.u32 s10, $0x2;
	s9 =	sadd.s32 s7, s9  }
0xc: {  	s13 =	ssub.s32 s6, s11;
	s31 =	sadd.s32 s30, s2;
	s7 =	sadd.s32 s7, s2  }
0xd: {  	s8 =	sadd.s32 s8, s5;
	s9 =	sshrl.u32 s9, $0x3;
	s10 =	sadd.s32 $0xC000, s31  }
0xe: {  	s11 =	sadd.s32 $0x10000, s31;
	s13 =	smax.u32 s13, $0x1;
	s19 =	sshrl.u32 s7, $0x3  }
0xf: {  	s12 =	sadd.s32 s9, s5;
	s5 =	sadd.s32 $0x16800, s8;
	s6 =	sadd.s32 $0x2A00, s8  }
0x10: {  	v0 =	vimm.f32 $0.0e+00;
	s8 =	sadd.s32 $0x4000, s31;
	s9 =	sadd.s32 $0x8000, s31;
	s12 =	sadd.s32 $0x70600, s12  }
.LBB2_1:
0x11: {  	[tilespmem:s3], [sflag:$0x1] =	stream.linear.gather [hbm4b:s5+s3], $0x2780, $0x38;
	[tilespmem:$0x1CF00] =	vst v63  }
0x12: {  	_ =	swait.ge [sflag:s14], $0x2780  }
0x13: {  	[sflag:s14] =	ssyncset.done $0x0  }
0x14: {  	[sflag:s14] =	ssyncadd.s32 $0xFFFFD880  }
0x15: {  	[tilespmem:s15], [sflag:$0x1] =	stream.linear.gather [hbm4b:s6+s3], $0x2780, $0x38;
	[tilespmem:$0x1CF00] =	vst v63  }
0x16: {  	_ =	swait.ge [sflag:s14], $0x2780  }
0x17: {  	[sflag:s14] =	ssyncset.done $0x0  }
0x18: {  	s21 =	simm.s32 $0x0;
	s22 =	simm.s32 $0x200;
	[sflag:s14] =	ssyncadd.s32 $0xFFFFD880  }
.LBB2_2:
0x19: {  	p0 =	sne.s32 s22, $0xFE00;
	[tilespmem:s21+$0x4F70] =	vst v0  }
0x1a: {  	[tilespmem:s21+$0x4F00] =	vst v0  }
0x1b: {  	[tilespmem:s21+$0x4F10] =	vst v0  }
.Ltmp0:
0x1c: {  	[tilespmem:s21+$0x4F20] =	vst v0;
	(pc) =	sbr.rel @p0 .LBB2_2-.Ltmp0, $4  }
0x1d: {  	[tilespmem:s21+$0x4F30] =	vst v0  }
0x1e: {  	[tilespmem:s21+$0x4F40] =	vst v0  }
0x1f: {  	[tilespmem:s21+$0x4F50] =	vst v0  }
0x20: {  	[tilespmem:s21+$0x4F60] =	vst v0;
	s21 =	sshra.s32 s22, $0x2;
	s22 =	sadd.s32 $0x200, s22  }
0x21: {  	[tilespmem:s21+$0x4F70] =	vst v0  }
0x22: {  	[tilespmem:s21+$0x4F00] =	vst v0  }
0x23: {  	[tilespmem:s21+$0x4F10] =	vst v0  }
0x24: {  	[tilespmem:s21+$0x4F20] =	vst v0  }
0x25: {  	[tilespmem:s21+$0x4F30] =	vst v0  }
0x26: {  	[tilespmem:s21+$0x4F40] =	vst v0  }
0x27: {  	[tilespmem:s21+$0x4F50] =	vst v0  }
0x28: {  	[tilespmem:s21+$0x4F60] =	vst v0  }
0x29: {  	[spmem:s7] =	stream.linear.scatter [tilespmem:s16], [sflag:$0x1], $0x4000, $0x38;
	[tilespmem:$0x1CF00] =	vst v63  }
0x2a: {  	_ =	swait.ge [sflag:s14], $0x4000  }
0x2b: {  	[sflag:s14] =	ssyncset.done $0x0  }
0x2c: {  	[sflag:s14] =	ssyncadd.s32 $0xFFFFC000  }
0x2d: {  	[spmem:s8] =	stream.linear.scatter [tilespmem:s16], [sflag:$0x1], $0x4000, $0x38;
	[tilespmem:$0x1CF00] =	vst v63  }
0x2e: {  	_ =	swait.ge [sflag:s14], $0x4000  }
0x2f: {  	[sflag:s14] =	ssyncset.done $0x0  }
0x30: {  	[sflag:s14] =	ssyncadd.s32 $0xFFFFC000  }
0x31: {  	[spmem:s9] =	stream.linear.scatter [tilespmem:s16], [sflag:$0x1], $0x4000, $0x38;
	[tilespmem:$0x1CF00] =	vst v63  }
0x32: {  	_ =	swait.ge [sflag:s14], $0x4000  }
0x33: {  	[sflag:s14] =	ssyncset.done $0x0  }
0x34: {  	[sflag:s14] =	ssyncadd.s32 $0xFFFFC000  }
0x35: {  	[spmem:s10] =	stream.linear.scatter [tilespmem:s16], [sflag:$0x1], $0x4000, $0x38;
	[tilespmem:$0x1CF00] =	vst v63  }
0x36: {  	_ =	swait.ge [sflag:s14], $0x4000  }
0x37: {  	[sflag:s14] =	ssyncset.done $0x0  }
0x38: {  	[sflag:s14] =	ssyncadd.s32 $0xFFFFC000  }
0x39: {  	[spmem:s11] =	stream.linear.scatter [tilespmem:s16], [sflag:$0x1], $0x4000, $0x38;
	[tilespmem:$0x1CF00] =	vst v63  }
0x3a: {  	_ =	swait.ge [sflag:s14], $0x4000  }
0x3b: {  	[sflag:s14] =	ssyncset.done $0x0  }
0x3c: {  	[sflag:s14] =	ssyncadd.s32 $0xFFFFC000  }
0x3d: {  	s30 =	simm.s32 $0x0;
	[bflag:$0x0] =	sbarrier.arrive $0xFFFF  }
0x3e: {  	[tilespmem:s16], [sflag:$0x1] =	stream.indirect.gather [hbm4b:s4+s17], $0x80, s30, s17, $0xb8;
	[tilespmem:$0x1CF00] =	vst v63  }
0x3f: {  	_ =	swait.ge [sflag:s14], $0x4000  }
0x40: {  	[sflag:s14] =	ssyncset.done $0x0  }
0x41: {  	s31 =	simm.s32 $0x2780;
	[sflag:s14] =	ssyncadd.s32 $0xFFFFC000  }
0x42: {  	[spmem:s2] =	stream.indirect.scatter.add.f32 [tilespmem:s16], [sflag:$0x1], $0x80, s31, s17, $0xb8;
	[tilespmem:$0x1CF00] =	vst v63  }
0x43: {  	_ =	swait.ge [sflag:s14], $0x4000  }
0x44: {  	s21 =	simm.s32 $0x200;
	s22 =	simm.s32 $0x400;
	[sflag:s14] =	ssyncset.done $0x0  }
.LBB2_4:
0x45: {  	s23 =	sshra.s32 s21, $0x2  }
0x46: {  	[sflag:s14] =	ssyncadd.s32 $0xFFFFC000;
	s21 =	smov.u32 s22;
	s24 =	sadd.s32 $0x200, s22  }
0x47: {  	[tilespmem:s16], [sflag:$0x1] =	stream.indirect.gather [hbm4b:s4+s17], $0x80, s23, s17, $0xb8;
	[tilespmem:$0x1CF00] =	vst v63  }
0x48: {  	p0 =	sne.s32 s22, $0x9C00;
	_ =	swait.ge [sflag:s14], $0x4000  }
.Ltmp1:
0x49: {  	[sflag:s14] =	ssyncset.done $0x0;
	(pc) =	sbr.rel @p0 .LBB2_4-.Ltmp1, $4  }
0x4a: {  	s22 =	sadd.s32 $0x2780, s23;
	[sflag:s14] =	ssyncadd.s32 $0xFFFFC000  }
0x4b: {  	[spmem:s2] =	stream.indirect.scatter.add.f32 [tilespmem:s16], [sflag:$0x1], $0x80, s22, s17, $0xb8;
	[tilespmem:$0x1CF00] =	vst v63  }
0x4c: {  	_ =	swait.ge [sflag:s14], $0x4000  }
0x4d: {  	s22 =	smov.u32 s24;
	[sflag:s14] =	ssyncset.done $0x0  }
0x4e: {  	s21 =	sshra.s32 s21, $0x2;
	[sflag:s14] =	ssyncadd.s32 $0xFFFFC000  }
0x4f: {  	[tilespmem:s16], [sflag:$0x1] =	stream.indirect.gather [hbm4b:s4+s17], $0x80, s21, s17, $0xb8;
	[tilespmem:$0x1CF00] =	vst v63  }
0x50: {  	_ =	swait.ge [sflag:s14], $0x4000  }
0x51: {  	[sflag:s14] =	ssyncset.done $0x0  }
0x52: {  	s21 =	sadd.s32 $0x2780, s21;
	[sflag:s14] =	ssyncadd.s32 $0xFFFFC000  }
0x53: {  	[spmem:s2] =	stream.indirect.scatter.add.f32 [tilespmem:s16], [sflag:$0x1], $0x80, s21, s17, $0xb8;
	[tilespmem:$0x1CF00] =	vst v63  }
0x54: {  	_ =	swait.ge [sflag:s14], $0x4000  }
0x55: {  	s20 =	sadd.s32 $0x1, s20;
	[sflag:s14] =	ssyncset.done $0x0  }
0x56: {  	p0 =	sne.s32 s20, s13;
	[sflag:s14] =	ssyncadd.s32 $0xFFFFC000  }
.Ltmp2:
0x57: {  	[bflag:$0x0] =	sbarrier.arrive $0xFFFF;
	(pc) =	sbr.rel @p0 .LBB2_1-.Ltmp2, $4  }
0x58: {  	[hbm:s12], [sflag:s18] =	dma.local [spmem:s19], $0x2800  }
0x59: {  	_ =	swait.ge [sflag:s14], $0x2800  }
0x5a: {  	[sflag:s14] =	ssyncset.done $0x0  }
0x5b: {  	[sflag:s14] =	ssyncadd.s32 $0xFFFFD800  }
0x5c: {  	_ =	sfence.sel $0x180000  }
0x5d: {  	[bflag:$0x0] =	sbarrier.arrive $0xFFFF  }
0x5e: {  	p0 =	sne.s32 s1, $0x0;
	_ =	strace $0x9000004A  }
0x5f: {  	s0 =	sadd.s32 @!p0 $0x100000, s0;
	[bflag:$0x2] =	sbarrier.arrive $0xFFFF  }
0x60: {  	[sflag:s0] =	ssyncadd.tile.s32 @!p0 $0x1;
	_ =	shalt  }
.Lfunc_end2:
_tile_overlayer_lowered:
.L_overlay_start_2:
0x61: {  	(tag) =	ssettag $0x2  }
0x62: {  	s0 =	rddreg [dreg:$0x0];
	s2 =	stileid.u32  }
0x63: {  	s1 =	rddreg [dreg:$0x1];
	p0 =	sne.s32 s2, $0x0  }
0x64: {  	s3 =	rddreg [dreg:$0x2];
	[bflag:$0x3] =	sbarrier.arrive $0xFFFF;
	s2 =	simm.s32 @!p0 $0x1C01  }
0x65: {  	[timem:s3], [sflag:s2] =	dma.local @!p0 [hbm:s0], s1  }
0x66: {  	s0 =	simm.s32 @!p0 $0x1  }
0x67: {  	_ =	swait.ge @!p0 [sflag:s0], s1  }
0x68: {  	s1 =	ssub.s32 @!p0 $0x0, s1;
	[sflag:s0] =	ssyncset.done @!p0 $0x0  }
0x69: {  	[sflag:s0] =	ssyncadd.s32 @!p0 s1  }
0x6a: {  	[bflag:$0x3] =	sbarrier.arrive $0xFFFF  }
0x6b: {  	_ =	shalt  }

// kernel: kernel.16.cloned.1.call-start
scs
__scs_entry_jumppad:
0x0: {  	(pc) =	sbr.rel $0x88, $3  }
0x1: {  	(tag) =	ssettag $0x0;
	lr =	simm.s32 $0x1  }
0x2: {  	[smem:$0x3F99] =	sst lr;
	_ =	strace $0xD0000000  }
0x3: {  	_ = 	snop  }
0x4: {  	_ = 	snop  }
0x5: {  	_ = 	snop  }
0x6: {  	_ = 	snop  }
0x7: {  	_ = 	snop  }
__scs_overlays_trampoline_lowered:
0x8: {  	[smem:$0x3FA8] =	sst s0  }
0x9: {  	[smem:$0x3FA9] =	sst s1  }
0xa: {  	[smem:$0x3FAA] =	sst s2  }
0xb: {  	[smem:$0x3FAB] =	sst s3  }
0xc: {  	[smem:$0x3FAC] =	sst s4  }
0xd: {  	[smem:$0x3FAD] =	sst s5  }
0xe: {  	[smem:$0x3FAE] =	sst s6  }
0xf: {  	[smem:$0x3FAF] =	sst s7  }
0x10: {  	[smem:$0x3FB0] =	sst s8  }
0x11: {  	[smem:$0x3FB1] =	sst s9;
	s0 =	simm.s32 @!p0 $0x0  }
0x12: {  	s1 =	sld [smem:$0x3F97];
	s0 =	simm.s32 @p0 $0x1  }
0x13: {  	[smem:$0x3FB2] =	sst s0;
	s0 =	simm.s32 @!p1 $0x0  }
0x14: {  	s2 =	sld [smem:$0x3F96];
	s0 =	simm.s32 @p1 $0x1  }
0x15: {  	[smem:$0x3FB3] =	sst s0;
	s0 =	simm.s32 @!p2 $0x0  }
0x16: {  	s3 =	sld [smem:$0x3FDB];
	s0 =	simm.s32 @p2 $0x1  }
0x17: {  	s4 =	simm.s32 $0x1BF5;
	[smem:$0x3FB5] =	sst s0  }
0x18: {  	s0 =	sld [smem:$0x3F98];
	_ =	swait.ge [sflag:s4], $0x0  }
0x19: {  	s7 =	sld [smem:$0x3F99]  }
0x1a: {  	s8 =	sadd.s32 $0xFFFFE003, lr  }
0x1b: {  	s9 =	sadd.s32 $0xFFFFFEF7, lr;
	s5 =	simm.s32 $0xFFFFFFFF;
	p2 =	slt.u32 s8, $0xFFFFF086  }
0x1c: {  	p1 =	slt.u32 s9, $0xF7A;
	s5 =	simm.s32 @!p2 $0x0  }
0x1d: {  	s5 =	simm.s32 @p1 $0x1;
	p0 =	seq.s32 s7, s2  }
0x1e: {  	s7 =	smul.u32 @!p0 $0xF7A, s2;
	p2 =	seq.s32 @!p0 s5, $0x0  }
0x1f: {  	s9 =	smul.u32 $0xF7A, s1;
	s8 =	simm.s32 @!p0 $0x1BF5;
	p2 =	por !p2, p0  }
0x20: {  	[sflag:s8] =	ssyncset.s32 @!p0 $0xFFFFF086;
	s6 =	sadd.s32 @!p0 s3, s7;
	s7 =	simm.s32 @!p0 $0x108  }
0x21: {  	s3 =	sadd.s32 s3, s9;
	s6 =	sadd.s32 @!p0 $0x88, s6;
	s7 =	simm.s32 @p2 $0x1082  }
0x22: {  	[simem:s7], [sflag:s8] =	dma.local @!p0 [hbm:s6], $0xF7A  }
0x23: {  	s9 =	sor.u32 $0xD0000000, s2;
	s6 =	simm.s32 $0x108;
	_ =	swait.ge @!p0 [sflag:s8], $0x0  }
0x24: {  	s3 =	sadd.s32 $0x88, s3;
	s6 =	simm.s32 @!p1 $0x1082;
	[sflag:s4] =	ssyncset.s32 $0xFFFFF086  }
0x25: {  	[simem:s6], [sflag:s4] =	dma.local [hbm:s3], $0xF7A  }
0x26: {  	[smem:$0x3F99] =	sst s1;
	(tag) =	ssettag s2;
	_ =	strace s9  }
0x27: {  	s1 =	sld [smem:$0x3FA9]  }
0x28: {  	s2 =	sld [smem:$0x3FAA]  }
0x29: {  	s4 =	sld [smem:$0x3FAC]  }
0x2a: {  	p0 =	seq.s32 s5, $0x0;
	s5 =	sld [smem:$0x3FAD]  }
0x2b: {  	s6 =	sld [smem:$0x3FAE]  }
0x2c: {  	s7 =	sld [smem:$0x3FAF]  }
0x2d: {  	s3 =	simm.s32 $0x108;
	s8 =	sld [smem:$0x3FB0]  }
0x2e: {  	s3 =	simm.s32 @!p0 $0x1082;
	s9 =	sld [smem:$0x3FB1]  }
0x2f: {  	lr =	sadd.s32 s0, s3;
	s0 =	sld [smem:$0x3FA8]  }
0x30: {  	s3 =	sld [smem:$0x3FAB]  }
0x31: {  	[smem:$0x3FB4] =	sst s10  }
0x32: {  	s10 =	sld [smem:$0x3FB2];
	_ =	sdelay $0x3  }
0x33: {  	p0 =	seq.s32 s10, $0x1;
	s10 =	sld [smem:$0x3FB4];
	_ =	sdelay $0x3  }
0x34: {  	[smem:$0x3FB4] =	sst s10  }
0x35: {  	s10 =	sld [smem:$0x3FB3];
	_ =	sdelay $0x3  }
0x36: {  	p1 =	seq.s32 s10, $0x1;
	s10 =	sld [smem:$0x3FB4];
	_ =	sdelay $0x3  }
0x37: {  	[smem:$0x3FB4] =	sst s10  }
0x38: {  	s10 =	sld [smem:$0x3FB5]  }
0x39: {  	_ = 	snop;
	(pc) =	sbr.ind lr, $3  }
0x3a: {  	_ = 	snop  }
0x3b: {  	_ = 	snop  }
0x3c: {  	p2 =	seq.s32 s10, $0x1;
	s10 =	sld [smem:$0x3FB4]  }
0x3d: {  	_ =	shalt  }
0x3e: {  	_ =	shalt  }
0x3f: {  	_ =	shalt  }
0x40: {  	_ =	shalt  }
0x41: {  	_ =	shalt  }
0x42: {  	_ =	shalt  }
0x43: {  	_ =	shalt  }
0x44: {  	_ =	shalt  }
0x45: {  	_ =	shalt  }
0x46: {  	_ =	shalt  }
0x47: {  	_ =	shalt  }
0x48: {  	_ =	shalt  }
0x49: {  	_ =	shalt  }
0x4a: {  	_ =	shalt  }
0x4b: {  	_ =	shalt  }
0x4c: {  	_ =	shalt  }
0x4d: {  	_ =	shalt  }
0x4e: {  	_ =	shalt  }
0x4f: {  	_ =	shalt  }
0x50: {  	_ =	shalt  }
0x51: {  	_ =	shalt  }
0x52: {  	_ =	shalt  }
0x53: {  	_ =	shalt  }
0x54: {  	_ =	shalt  }
0x55: {  	_ =	shalt  }
0x56: {  	_ =	shalt  }
0x57: {  	_ =	shalt  }
0x58: {  	_ =	shalt  }
0x59: {  	_ =	shalt  }
0x5a: {  	_ =	shalt  }
0x5b: {  	_ =	shalt  }
0x5c: {  	_ =	shalt  }
0x5d: {  	_ =	shalt  }
0x5e: {  	_ =	shalt  }
0x5f: {  	_ =	shalt  }
0x60: {  	_ =	shalt  }
0x61: {  	_ =	shalt  }
0x62: {  	_ =	shalt  }
0x63: {  	_ =	shalt  }
0x64: {  	_ =	shalt  }
0x65: {  	_ =	shalt  }
0x66: {  	_ =	shalt  }
0x67: {  	_ =	shalt  }
0x68: {  	_ =	shalt  }
0x69: {  	_ =	shalt  }
0x6a: {  	_ =	shalt  }
0x6b: {  	_ =	shalt  }
0x6c: {  	_ =	shalt  }
0x6d: {  	_ =	shalt  }
0x6e: {  	_ =	shalt  }
0x6f: {  	_ =	shalt  }
0x70: {  	_ =	shalt  }
0x71: {  	_ =	shalt  }
0x72: {  	_ =	shalt  }
0x73: {  	_ =	shalt  }
0x74: {  	_ =	shalt  }
0x75: {  	_ =	shalt  }
0x76: {  	_ =	shalt  }
0x77: {  	_ =	shalt  }
0x78: {  	_ =	shalt  }
0x79: {  	_ =	shalt  }
0x7a: {  	_ =	shalt  }
0x7b: {  	_ =	shalt  }
0x7c: {  	_ =	shalt  }
0x7d: {  	_ =	shalt  }
0x7e: {  	_ =	shalt  }
0x7f: {  	_ =	shalt  }
0x80: {  	_ =	shalt  }
0x81: {  	_ =	shalt  }
0x82: {  	_ =	shalt  }
0x83: {  	_ =	shalt  }
0x84: {  	_ =	shalt  }
0x85: {  	_ =	shalt  }
0x86: {  	_ =	shalt  }
0x87: {  	_ =	shalt  }
.Lfunc_end0:
.L_simem_size_0:
called_computation.2_lowered:
.L_overlay_start_0:
0x88: {  	s2 =	sld [smem:$0x3FD9]  }
0x89: {  	s3 =	sld [smem:$0x3FFE];
	_ =	sdelay $0x1  }
0x8a: {  	s1 =	srdreg.scid  }
0x8b: {  	s0 =	sand.u32 $0x1, s1  }
0x8c: {  	s16 =	sshll.u32 s0, $0xA;
	s2 =	sadd.s32 s3, s2  }
0x8d: {  	s2 =	sadd.s32 s2, s16  }
0x8e: {  	[smem:$0x3FC0] =	sst s2  }
0x8f: {  	_ = 	snop  }
0x90: {  	(tm) =	ssettm $0x1  }
0x91: {  	s17 =	sld [smem:$0x3FFB];
	_ =	sdelay $0x3  }
0x92: {  	_ =	strace s17  }
0x93: {  	s2 =	sld [smem:$0x3FFC];
	_ =	sdelay $0x3  }
0x94: {  	_ =	strace s2  }
0x95: {  	s2 =	sld [smem:$0x3FFD];
	_ =	sdelay $0x3  }
0x96: {  	_ =	strace s2  }
0x97: {  	_ =	strace $0x8FFFFFFF  }
0x98: {  	s18 =	sld [smem:$0x3FDB];
	_ =	sdelay $0x1  }
0x99: {  	s19 =	simm.s32 $_scs_section_size  }
0x9a: {  	s4 =	simm.s32 $_size__tile_overlayer_lowered;
	s5 =	simm.s32 $_tile_overlayer_lowered  }
0x9b: {  	s22 =	simm.s32 $0x1BFF;
	s21 =	sshll.u32 s5, $0x1;
	s2 =	sadd.s32 s19, s18  }
0x9c: {  	s6 =	simm.s32 $0x0;
	s20 =	sshll.u32 s4, $0x1;
	s4 =	sadd.s32 s21, s2  }
0x9d: {  	[timem:s6], [sflag:s22] =	dma.local [hbm:s4], s20  }
0x9e: {  	_ =	swait.ge [sflag:s22], s20  }
0x9f: {  	s3 =	ssub.s32 $0x0, s20;
	[sflag:s22] =	ssyncset.done $0x0  }
0xa0: {  	[sflag:s22] =	ssyncadd.s32 s3;
	_ =	sdelay $0x1  }
0xa1: {  	s23 =	simm.s32 $0x1B8B  }
0xa2: {  	_ =	swait.ge [sflag:s23], $0x1  }
0xa3: {  	[sflag:s23] =	ssyncset.done $0x0  }
0xa4: {  	s25 =	simm.s32 $0x1B8E;
	s24 =	sld [smem:$0x3FFE];
	[sflag:s23] =	ssyncadd.s32 $0xFFFFFFFF  }
0xa5: {  	s26 =	simm.s32 $execute0_lowered;
	[smem:$0x3FD2] =	sst s25  }
0xa6: {  	s4 =	sshll.u32 s26, $0x1;
	_ =	strace $0x8000004C;
	[dreg:$0x1] =	wrdreg $0xFFFFFFFF  }
0xa7: {  	s28 =	simm.s32 $_size_execute0_lowered;
	s2 =	sadd.s32 s2, s4;
	[dreg:$0x0] =	wrdreg $0x0  }
0xa8: {  	s4 =	sshll.u32 s28, $0x1;
	[dreg:$0x2] =	wrdreg s2  }
0xa9: {  	[dreg:$0x3] =	wrdreg s4  }
0xaa: {  	[dreg:$0x4] =	wrdreg $0xC0  }
0xab: {  	_ =	task [dreg:s6], $0x5FFFF  }
0xac: {  	[dreg:$0x1] =	wrdreg $0xFFFFFFFF  }
0xad: {  	[dreg:$0x0] =	wrdreg $0x60  }
0xae: {  	[dreg:$0x2] =	wrdreg s24  }
0xaf: {  	[dreg:$0x3] =	wrdreg $0x8F000  }
0xb0: {  	[dreg:$0x4] =	wrdreg $0x9  }
0xb1: {  	_ =	task.clear_ibuf [dreg:s6], $0x5FFFF;
	_ =	strace $0x9000004C  }
0xb2: {  	s29 =	simm.s32 $0x9;
	_ =	strace $0x8000004E  }
0xb3: {  	_ =	swait.ge [sflag:s29], $0x1  }
0xb4: {  	[sflag:s29] =	ssyncadd.s32 $0xFFFFFFFF  }
0xb5: {  	_ =	strace $0x9000004E  }
0xb6: {  	_ =	sfence  }
0xb7: {  	s30 =	sld [smem:$0x0];
	_ =	sdelay $0x2  }
0xb8: {  	s31 =	sshll.u32 s1, $0xD;
	s1 =	sshrl.u32 s1, $0x2  }
0xb9: {  	s3 =	sand.u32 $0x4000, s31;
	s1 =	sadd.s32 s1, s30  }
0xba: {  	s0 =	sor.u32 s3, s0;
	s1 =	sshll.u32 s1, $0x11  }
0xbb: {  	s0 =	sor.u32 s1, s0  }
0xbc: {  	s0 =	sadd.s32 $0x8F2B, s0  }
0xbd: {  	[sflag:s0] =	ssyncadd.remote.s32 $0x1  }
0xbe: {  	_ =	sfence.sel $0xFFFF  }
0xbf: {  	[dreg:$0x0] =	wrdreg $0xFFFFFFFF;
	(pc) =	sbr.abs _section_cstart, $3  }
0xc0: {  	[dreg:$0x1] =	wrdreg $0xFFFFFFFF  }
0xc1: {  	_ =	task.clear_ibuf [dreg:s6], $0x2FFFF;
	_ =	strace $0x9FFFFFFF  }
0xc2: {  	(tm) =	ssettm $0x7FFFFFFF  }
0xc3: {  	_ =	shalt  }
tec
execute0_lowered:
.L_overlay_start_1:
0x0: {  	(tag) =	ssettag $0x1  }
0x1: {  	s5 =	rddreg [dreg:$0x0]  }
0x2: {  	s2 =	rddreg [dreg:$0x1]  }
0x3: {  	s0 =	rddreg [dreg:$0x2]  }
0x4: {  	s3 =	simm.s32 $0x0;
	s4 =	srdreg.scid;
	s1 =	stileid.u32  }
0x5: {  	s14 =	simm.s32 $0x1;
	s15 =	simm.s32 $0x2780;
	s16 =	simm.s32 $0x4F00  }
0x6: {  	s17 =	simm.s32 $0x80;
	s20 =	simm.s32 $0x0;
	s6 =	sand.u32 $0x1, s4  }
0x7: {  	s29 =	sshll.u32 s1, $0x1;
	s7 =	smul.u32 $0x14000, s1;
	[smem:$0x7FF] =	sst s3  }
0x8: {  	s4 =	sadd.s32 $0x20600, s5;
	s10 =	smul.u32 $0x50000, s1;
	s18 =	sshll.u32 s1, $0x6  }
0x9: {  	s8 =	sor.u32 s6, s29;
	s9 =	smul.u32 $0x140000, s6;
	_ =	strace $0x8000004D  }
0xa: {  	s6 =	ssub.s32 $0x2, s6;
	s18 =	sor.u32 $0x1C01, s18;
	s8 =	smul.u32 $0x4F0, s8  }
0xb: {  	s11 =	sshrl.u32 s6, $0x1;
	s30 =	sshrl.u32 s10, $0x2;
	s9 =	sadd.s32 s7, s9  }
0xc: {  	s13 =	ssub.s32 s6, s11;
	s31 =	sadd.s32 s30, s2;
	s7 =	sadd.s32 s7, s2  }
0xd: {  	s8 =	sadd.s32 s8, s5;
	s9 =	sshrl.u32 s9, $0x3;
	s10 =	sadd.s32 $0xC000, s31  }
0xe: {  	s11 =	sadd.s32 $0x10000, s31;
	s13 =	smax.u32 s13, $0x1;
	s19 =	sshrl.u32 s7, $0x3  }
0xf: {  	s12 =	sadd.s32 s9, s5;
	s5 =	sadd.s32 $0x16800, s8;
	s6 =	sadd.s32 $0x2A00, s8  }
0x10: {  	v0 =	vimm.f32 $0.0e+00;
	s8 =	sadd.s32 $0x4000, s31;
	s9 =	sadd.s32 $0x8000, s31;
	s12 =	sadd.s32 $0x98600, s12  }
.LBB2_1:
0x11: {  	[tilespmem:s3], [sflag:$0x1] =	stream.linear.gather [hbm4b:s5+s3], $0x2780, $0x38;
	[tilespmem:$0x1CF00] =	vst v63  }
0x12: {  	_ =	swait.ge [sflag:s14], $0x2780  }
0x13: {  	[sflag:s14] =	ssyncset.done $0x0  }
0x14: {  	[sflag:s14] =	ssyncadd.s32 $0xFFFFD880  }
0x15: {  	[tilespmem:s15], [sflag:$0x1] =	stream.linear.gather [hbm4b:s6+s3], $0x2780, $0x38;
	[tilespmem:$0x1CF00] =	vst v63  }
0x16: {  	_ =	swait.ge [sflag:s14], $0x2780  }
0x17: {  	[sflag:s14] =	ssyncset.done $0x0  }
0x18: {  	s21 =	simm.s32 $0x0;
	s22 =	simm.s32 $0x200;
	[sflag:s14] =	ssyncadd.s32 $0xFFFFD880  }
.LBB2_2:
0x19: {  	p0 =	sne.s32 s22, $0xFE00;
	[tilespmem:s21+$0x4F70] =	vst v0  }
0x1a: {  	[tilespmem:s21+$0x4F00] =	vst v0  }
0x1b: {  	[tilespmem:s21+$0x4F10] =	vst v0  }
.Ltmp0:
0x1c: {  	[tilespmem:s21+$0x4F20] =	vst v0;
	(pc) =	sbr.rel @p0 .LBB2_2-.Ltmp0, $4  }
0x1d: {  	[tilespmem:s21+$0x4F30] =	vst v0  }
0x1e: {  	[tilespmem:s21+$0x4F40] =	vst v0  }
0x1f: {  	[tilespmem:s21+$0x4F50] =	vst v0  }
0x20: {  	[tilespmem:s21+$0x4F60] =	vst v0;
	s21 =	sshra.s32 s22, $0x2;
	s22 =	sadd.s32 $0x200, s22  }
0x21: {  	[tilespmem:s21+$0x4F70] =	vst v0  }
0x22: {  	[tilespmem:s21+$0x4F00] =	vst v0  }
0x23: {  	[tilespmem:s21+$0x4F10] =	vst v0  }
0x24: {  	[tilespmem:s21+$0x4F20] =	vst v0  }
0x25: {  	[tilespmem:s21+$0x4F30] =	vst v0  }
0x26: {  	[tilespmem:s21+$0x4F40] =	vst v0  }
0x27: {  	[tilespmem:s21+$0x4F50] =	vst v0  }
0x28: {  	[tilespmem:s21+$0x4F60] =	vst v0  }
0x29: {  	[spmem:s7] =	stream.linear.scatter [tilespmem:s16], [sflag:$0x1], $0x4000, $0x38;
	[tilespmem:$0x1CF00] =	vst v63  }
0x2a: {  	_ =	swait.ge [sflag:s14], $0x4000  }
0x2b: {  	[sflag:s14] =	ssyncset.done $0x0  }
0x2c: {  	[sflag:s14] =	ssyncadd.s32 $0xFFFFC000  }
0x2d: {  	[spmem:s8] =	stream.linear.scatter [tilespmem:s16], [sflag:$0x1], $0x4000, $0x38;
	[tilespmem:$0x1CF00] =	vst v63  }
0x2e: {  	_ =	swait.ge [sflag:s14], $0x4000  }
0x2f: {  	[sflag:s14] =	ssyncset.done $0x0  }
0x30: {  	[sflag:s14] =	ssyncadd.s32 $0xFFFFC000  }
0x31: {  	[spmem:s9] =	stream.linear.scatter [tilespmem:s16], [sflag:$0x1], $0x4000, $0x38;
	[tilespmem:$0x1CF00] =	vst v63  }
0x32: {  	_ =	swait.ge [sflag:s14], $0x4000  }
0x33: {  	[sflag:s14] =	ssyncset.done $0x0  }
0x34: {  	[sflag:s14] =	ssyncadd.s32 $0xFFFFC000  }
0x35: {  	[spmem:s10] =	stream.linear.scatter [tilespmem:s16], [sflag:$0x1], $0x4000, $0x38;
	[tilespmem:$0x1CF00] =	vst v63  }
0x36: {  	_ =	swait.ge [sflag:s14], $0x4000  }
0x37: {  	[sflag:s14] =	ssyncset.done $0x0  }
0x38: {  	[sflag:s14] =	ssyncadd.s32 $0xFFFFC000  }
0x39: {  	[spmem:s11] =	stream.linear.scatter [tilespmem:s16], [sflag:$0x1], $0x4000, $0x38;
	[tilespmem:$0x1CF00] =	vst v63  }
0x3a: {  	_ =	swait.ge [sflag:s14], $0x4000  }
0x3b: {  	[sflag:s14] =	ssyncset.done $0x0  }
0x3c: {  	[sflag:s14] =	ssyncadd.s32 $0xFFFFC000  }
0x3d: {  	s30 =	simm.s32 $0x0;
	[bflag:$0x0] =	sbarrier.arrive $0xFFFF  }
0x3e: {  	[tilespmem:s16], [sflag:$0x1] =	stream.indirect.gather [hbm4b:s4+s17], $0x80, s30, s17, $0xb8;
	[tilespmem:$0x1CF00] =	vst v63  }
0x3f: {  	_ =	swait.ge [sflag:s14], $0x4000  }
0x40: {  	[sflag:s14] =	ssyncset.done $0x0  }
0x41: {  	s31 =	simm.s32 $0x2780;
	[sflag:s14] =	ssyncadd.s32 $0xFFFFC000  }
0x42: {  	[spmem:s2] =	stream.indirect.scatter.add.f32 [tilespmem:s16], [sflag:$0x1], $0x80, s31, s17, $0xb8;
	[tilespmem:$0x1CF00] =	vst v63  }
0x43: {  	_ =	swait.ge [sflag:s14], $0x4000  }
0x44: {  	s21 =	simm.s32 $0x200;
	s22 =	simm.s32 $0x400;
	[sflag:s14] =	ssyncset.done $0x0  }
.LBB2_4:
0x45: {  	s23 =	sshra.s32 s21, $0x2  }
0x46: {  	[sflag:s14] =	ssyncadd.s32 $0xFFFFC000;
	s21 =	smov.u32 s22;
	s24 =	sadd.s32 $0x200, s22  }
0x47: {  	[tilespmem:s16], [sflag:$0x1] =	stream.indirect.gather [hbm4b:s4+s17], $0x80, s23, s17, $0xb8;
	[tilespmem:$0x1CF00] =	vst v63  }
0x48: {  	p0 =	sne.s32 s22, $0x9C00;
	_ =	swait.ge [sflag:s14], $0x4000  }
.Ltmp1:
0x49: {  	[sflag:s14] =	ssyncset.done $0x0;
	(pc) =	sbr.rel @p0 .LBB2_4-.Ltmp1, $4  }
0x4a: {  	s22 =	sadd.s32 $0x2780, s23;
	[sflag:s14] =	ssyncadd.s32 $0xFFFFC000  }
0x4b: {  	[spmem:s2] =	stream.indirect.scatter.add.f32 [tilespmem:s16], [sflag:$0x1], $0x80, s22, s17, $0xb8;
	[tilespmem:$0x1CF00] =	vst v63  }
0x4c: {  	_ =	swait.ge [sflag:s14], $0x4000  }
0x4d: {  	s22 =	smov.u32 s24;
	[sflag:s14] =	ssyncset.done $0x0  }
0x4e: {  	s21 =	sshra.s32 s21, $0x2;
	[sflag:s14] =	ssyncadd.s32 $0xFFFFC000  }
0x4f: {  	[tilespmem:s16], [sflag:$0x1] =	stream.indirect.gather [hbm4b:s4+s17], $0x80, s21, s17, $0xb8;
	[tilespmem:$0x1CF00] =	vst v63  }
0x50: {  	_ =	swait.ge [sflag:s14], $0x4000  }
0x51: {  	[sflag:s14] =	ssyncset.done $0x0  }
0x52: {  	s21 =	sadd.s32 $0x2780, s21;
	[sflag:s14] =	ssyncadd.s32 $0xFFFFC000  }
0x53: {  	[spmem:s2] =	stream.indirect.scatter.add.f32 [tilespmem:s16], [sflag:$0x1], $0x80, s21, s17, $0xb8;
	[tilespmem:$0x1CF00] =	vst v63  }
0x54: {  	_ =	swait.ge [sflag:s14], $0x4000  }
0x55: {  	s20 =	sadd.s32 $0x1, s20;
	[sflag:s14] =	ssyncset.done $0x0  }
0x56: {  	p0 =	sne.s32 s20, s13;
	[sflag:s14] =	ssyncadd.s32 $0xFFFFC000  }
.Ltmp2:
0x57: {  	[bflag:$0x0] =	sbarrier.arrive $0xFFFF;
	(pc) =	sbr.rel @p0 .LBB2_1-.Ltmp2, $4  }
0x58: {  	[hbm:s12], [sflag:s18] =	dma.local [spmem:s19], $0x2800  }
0x59: {  	_ =	swait.ge [sflag:s14], $0x2800  }
0x5a: {  	[sflag:s14] =	ssyncset.done $0x0  }
0x5b: {  	[sflag:s14] =	ssyncadd.s32 $0xFFFFD800  }
0x5c: {  	_ =	sfence.sel $0x180000  }
0x5d: {  	[bflag:$0x0] =	sbarrier.arrive $0xFFFF  }
0x5e: {  	p0 =	sne.s32 s1, $0x0;
	_ =	strace $0x9000004D  }
0x5f: {  	s0 =	sadd.s32 @!p0 $0x100000, s0;
	[bflag:$0x2] =	sbarrier.arrive $0xFFFF  }
0x60: {  	[sflag:s0] =	ssyncadd.tile.s32 @!p0 $0x1;
	_ =	shalt  }
.Lfunc_end2:
_tile_overlayer_lowered:
.L_overlay_start_2:
0x61: {  	(tag) =	ssettag $0x2  }
0x62: {  	s0 =	rddreg [dreg:$0x0];
	s2 =	stileid.u32  }
0x63: {  	s1 =	rddreg [dreg:$0x1];
	p0 =	sne.s32 s2, $0x0  }
0x64: {  	s3 =	rddreg [dreg:$0x2];
	[bflag:$0x3] =	sbarrier.arrive $0xFFFF;
	s2 =	simm.s32 @!p0 $0x1C01  }
0x65: {  	[timem:s3], [sflag:s2] =	dma.local @!p0 [hbm:s0], s1  }
0x66: {  	s0 =	simm.s32 @!p0 $0x1  }
0x67: {  	_ =	swait.ge @!p0 [sflag:s0], s1  }
0x68: {  	s1 =	ssub.s32 @!p0 $0x0, s1;
	[sflag:s0] =	ssyncset.done @!p0 $0x0  }
0x69: {  	[sflag:s0] =	ssyncadd.s32 @!p0 s1  }
0x6a: {  	[bflag:$0x3] =	sbarrier.arrive $0xFFFF  }
0x6b: {  	_ =	shalt  }

// kernel: kernel.19.cloned.1.call-start
scs
__scs_entry_jumppad:
0x0: {  	(pc) =	sbr.rel $0x88, $3  }
0x1: {  	(tag) =	ssettag $0x0;
	lr =	simm.s32 $0x1  }
0x2: {  	[smem:$0x3F99] =	sst lr;
	_ =	strace $0xD0000000  }
0x3: {  	_ = 	snop  }
0x4: {  	_ = 	snop  }
0x5: {  	_ = 	snop  }
0x6: {  	_ = 	snop  }
0x7: {  	_ = 	snop  }
__scs_overlays_trampoline_lowered:
0x8: {  	[smem:$0x3FA8] =	sst s0  }
0x9: {  	[smem:$0x3FA9] =	sst s1  }
0xa: {  	[smem:$0x3FAA] =	sst s2  }
0xb: {  	[smem:$0x3FAB] =	sst s3  }
0xc: {  	[smem:$0x3FAC] =	sst s4  }
0xd: {  	[smem:$0x3FAD] =	sst s5  }
0xe: {  	[smem:$0x3FAE] =	sst s6  }
0xf: {  	[smem:$0x3FAF] =	sst s7  }
0x10: {  	[smem:$0x3FB0] =	sst s8  }
0x11: {  	[smem:$0x3FB1] =	sst s9;
	s0 =	simm.s32 @!p0 $0x0  }
0x12: {  	s1 =	sld [smem:$0x3F97];
	s0 =	simm.s32 @p0 $0x1  }
0x13: {  	[smem:$0x3FB2] =	sst s0;
	s0 =	simm.s32 @!p1 $0x0  }
0x14: {  	s2 =	sld [smem:$0x3F96];
	s0 =	simm.s32 @p1 $0x1  }
0x15: {  	[smem:$0x3FB3] =	sst s0;
	s0 =	simm.s32 @!p2 $0x0  }
0x16: {  	s3 =	sld [smem:$0x3FDB];
	s0 =	simm.s32 @p2 $0x1  }
0x17: {  	s4 =	simm.s32 $0x1BF5;
	[smem:$0x3FB5] =	sst s0  }
0x18: {  	s0 =	sld [smem:$0x3F98];
	_ =	swait.ge [sflag:s4], $0x0  }
0x19: {  	s7 =	sld [smem:$0x3F99]  }
0x1a: {  	s8 =	sadd.s32 $0xFFFFE003, lr  }
0x1b: {  	s9 =	sadd.s32 $0xFFFFFEF7, lr;
	s5 =	simm.s32 $0xFFFFFFFF;
	p2 =	slt.u32 s8, $0xFFFFF086  }
0x1c: {  	p1 =	slt.u32 s9, $0xF7A;
	s5 =	simm.s32 @!p2 $0x0  }
0x1d: {  	s5 =	simm.s32 @p1 $0x1;
	p0 =	seq.s32 s7, s2  }
0x1e: {  	s7 =	smul.u32 @!p0 $0xF7A, s2;
	p2 =	seq.s32 @!p0 s5, $0x0  }
0x1f: {  	s9 =	smul.u32 $0xF7A, s1;
	s8 =	simm.s32 @!p0 $0x1BF5;
	p2 =	por !p2, p0  }
0x20: {  	[sflag:s8] =	ssyncset.s32 @!p0 $0xFFFFF086;
	s6 =	sadd.s32 @!p0 s3, s7;
	s7 =	simm.s32 @!p0 $0x108  }
0x21: {  	s3 =	sadd.s32 s3, s9;
	s6 =	sadd.s32 @!p0 $0x88, s6;
	s7 =	simm.s32 @p2 $0x1082  }
0x22: {  	[simem:s7], [sflag:s8] =	dma.local @!p0 [hbm:s6], $0xF7A  }
0x23: {  	s9 =	sor.u32 $0xD0000000, s2;
	s6 =	simm.s32 $0x108;
	_ =	swait.ge @!p0 [sflag:s8], $0x0  }
0x24: {  	s3 =	sadd.s32 $0x88, s3;
	s6 =	simm.s32 @!p1 $0x1082;
	[sflag:s4] =	ssyncset.s32 $0xFFFFF086  }
0x25: {  	[simem:s6], [sflag:s4] =	dma.local [hbm:s3], $0xF7A  }
0x26: {  	[smem:$0x3F99] =	sst s1;
	(tag) =	ssettag s2;
	_ =	strace s9  }
0x27: {  	s1 =	sld [smem:$0x3FA9]  }
0x28: {  	s2 =	sld [smem:$0x3FAA]  }
0x29: {  	s4 =	sld [smem:$0x3FAC]  }
0x2a: {  	p0 =	seq.s32 s5, $0x0;
	s5 =	sld [smem:$0x3FAD]  }
0x2b: {  	s6 =	sld [smem:$0x3FAE]  }
0x2c: {  	s7 =	sld [smem:$0x3FAF]  }
0x2d: {  	s3 =	simm.s32 $0x108;
	s8 =	sld [smem:$0x3FB0]  }
0x2e: {  	s3 =	simm.s32 @!p0 $0x1082;
	s9 =	sld [smem:$0x3FB1]  }
0x2f: {  	lr =	sadd.s32 s0, s3;
	s0 =	sld [smem:$0x3FA8]  }
0x30: {  	s3 =	sld [smem:$0x3FAB]  }
0x31: {  	[smem:$0x3FB4] =	sst s10  }
0x32: {  	s10 =	sld [smem:$0x3FB2];
	_ =	sdelay $0x3  }
0x33: {  	p0 =	seq.s32 s10, $0x1;
	s10 =	sld [smem:$0x3FB4];
	_ =	sdelay $0x3  }
0x34: {  	[smem:$0x3FB4] =	sst s10  }
0x35: {  	s10 =	sld [smem:$0x3FB3];
	_ =	sdelay $0x3  }
0x36: {  	p1 =	seq.s32 s10, $0x1;
	s10 =	sld [smem:$0x3FB4];
	_ =	sdelay $0x3  }
0x37: {  	[smem:$0x3FB4] =	sst s10  }
0x38: {  	s10 =	sld [smem:$0x3FB5]  }
0x39: {  	_ = 	snop;
	(pc) =	sbr.ind lr, $3  }
0x3a: {  	_ = 	snop  }
0x3b: {  	_ = 	snop  }
0x3c: {  	p2 =	seq.s32 s10, $0x1;
	s10 =	sld [smem:$0x3FB4]  }
0x3d: {  	_ =	shalt  }
0x3e: {  	_ =	shalt  }
0x3f: {  	_ =	shalt  }
0x40: {  	_ =	shalt  }
0x41: {  	_ =	shalt  }
0x42: {  	_ =	shalt  }
0x43: {  	_ =	shalt  }
0x44: {  	_ =	shalt  }
0x45: {  	_ =	shalt  }
0x46: {  	_ =	shalt  }
0x47: {  	_ =	shalt  }
0x48: {  	_ =	shalt  }
0x49: {  	_ =	shalt  }
0x4a: {  	_ =	shalt  }
0x4b: {  	_ =	shalt  }
0x4c: {  	_ =	shalt  }
0x4d: {  	_ =	shalt  }
0x4e: {  	_ =	shalt  }
0x4f: {  	_ =	shalt  }
0x50: {  	_ =	shalt  }
0x51: {  	_ =	shalt  }
0x52: {  	_ =	shalt  }
0x53: {  	_ =	shalt  }
0x54: {  	_ =	shalt  }
0x55: {  	_ =	shalt  }
0x56: {  	_ =	shalt  }
0x57: {  	_ =	shalt  }
0x58: {  	_ =	shalt  }
0x59: {  	_ =	shalt  }
0x5a: {  	_ =	shalt  }
0x5b: {  	_ =	shalt  }
0x5c: {  	_ =	shalt  }
0x5d: {  	_ =	shalt  }
0x5e: {  	_ =	shalt  }
0x5f: {  	_ =	shalt  }
0x60: {  	_ =	shalt  }
0x61: {  	_ =	shalt  }
0x62: {  	_ =	shalt  }
0x63: {  	_ =	shalt  }
0x64: {  	_ =	shalt  }
0x65: {  	_ =	shalt  }
0x66: {  	_ =	shalt  }
0x67: {  	_ =	shalt  }
0x68: {  	_ =	shalt  }
0x69: {  	_ =	shalt  }
0x6a: {  	_ =	shalt  }
0x6b: {  	_ =	shalt  }
0x6c: {  	_ =	shalt  }
0x6d: {  	_ =	shalt  }
0x6e: {  	_ =	shalt  }
0x6f: {  	_ =	shalt  }
0x70: {  	_ =	shalt  }
0x71: {  	_ =	shalt  }
0x72: {  	_ =	shalt  }
0x73: {  	_ =	shalt  }
0x74: {  	_ =	shalt  }
0x75: {  	_ =	shalt  }
0x76: {  	_ =	shalt  }
0x77: {  	_ =	shalt  }
0x78: {  	_ =	shalt  }
0x79: {  	_ =	shalt  }
0x7a: {  	_ =	shalt  }
0x7b: {  	_ =	shalt  }
0x7c: {  	_ =	shalt  }
0x7d: {  	_ =	shalt  }
0x7e: {  	_ =	shalt  }
0x7f: {  	_ =	shalt  }
0x80: {  	_ =	shalt  }
0x81: {  	_ =	shalt  }
0x82: {  	_ =	shalt  }
0x83: {  	_ =	shalt  }
0x84: {  	_ =	shalt  }
0x85: {  	_ =	shalt  }
0x86: {  	_ =	shalt  }
0x87: {  	_ =	shalt  }
.Lfunc_end0:
.L_simem_size_0:
called_computation.3_lowered:
.L_overlay_start_0:
0x88: {  	s2 =	sld [smem:$0x3FD9]  }
0x89: {  	s3 =	sld [smem:$0x3FFE];
	_ =	sdelay $0x1  }
0x8a: {  	s1 =	srdreg.scid  }
0x8b: {  	s0 =	sand.u32 $0x1, s1  }
0x8c: {  	s16 =	sshll.u32 s0, $0xA;
	s2 =	sadd.s32 s3, s2  }
0x8d: {  	s2 =	sadd.s32 s2, s16  }
0x8e: {  	[smem:$0x3FC0] =	sst s2  }
0x8f: {  	_ = 	snop  }
0x90: {  	(tm) =	ssettm $0x1  }
0x91: {  	s17 =	sld [smem:$0x3FFB];
	_ =	sdelay $0x3  }
0x92: {  	_ =	strace s17  }
0x93: {  	s2 =	sld [smem:$0x3FFC];
	_ =	sdelay $0x3  }
0x94: {  	_ =	strace s2  }
0x95: {  	s2 =	sld [smem:$0x3FFD];
	_ =	sdelay $0x3  }
0x96: {  	_ =	strace s2  }
0x97: {  	_ =	strace $0x8FFFFFFF  }
0x98: {  	s18 =	sld [smem:$0x3FDB];
	_ =	sdelay $0x1  }
0x99: {  	s19 =	simm.s32 $_scs_section_size  }
0x9a: {  	s4 =	simm.s32 $_size__tile_overlayer_lowered;
	s5 =	simm.s32 $_tile_overlayer_lowered  }
0x9b: {  	s22 =	simm.s32 $0x1BFF;
	s21 =	sshll.u32 s5, $0x1;
	s2 =	sadd.s32 s19, s18  }
0x9c: {  	s6 =	simm.s32 $0x0;
	s20 =	sshll.u32 s4, $0x1;
	s4 =	sadd.s32 s21, s2  }
0x9d: {  	[timem:s6], [sflag:s22] =	dma.local [hbm:s4], s20  }
0x9e: {  	_ =	swait.ge [sflag:s22], s20  }
0x9f: {  	s3 =	ssub.s32 $0x0, s20;
	[sflag:s22] =	ssyncset.done $0x0  }
0xa0: {  	[sflag:s22] =	ssyncadd.s32 s3;
	_ =	sdelay $0x1  }
0xa1: {  	s23 =	simm.s32 $0x1B8B  }
0xa2: {  	_ =	swait.ge [sflag:s23], $0x1  }
0xa3: {  	[sflag:s23] =	ssyncset.done $0x0  }
0xa4: {  	s25 =	simm.s32 $0x1B8E;
	s24 =	sld [smem:$0x3FFE];
	[sflag:s23] =	ssyncadd.s32 $0xFFFFFFFF  }
0xa5: {  	s26 =	simm.s32 $execute0_lowered;
	[smem:$0x3FD2] =	sst s25  }
0xa6: {  	s4 =	sshll.u32 s26, $0x1;
	_ =	strace $0x8000004F;
	[dreg:$0x1] =	wrdreg $0xFFFFFFFF  }
0xa7: {  	s28 =	simm.s32 $_size_execute0_lowered;
	s2 =	sadd.s32 s2, s4;
	[dreg:$0x0] =	wrdreg $0x0  }
0xa8: {  	s4 =	sshll.u32 s28, $0x1;
	[dreg:$0x2] =	wrdreg s2  }
0xa9: {  	[dreg:$0x3] =	wrdreg s4  }
0xaa: {  	[dreg:$0x4] =	wrdreg $0xC0  }
0xab: {  	_ =	task [dreg:s6], $0x5FFFF  }
0xac: {  	[dreg:$0x1] =	wrdreg $0xFFFFFFFF  }
0xad: {  	[dreg:$0x0] =	wrdreg $0x60  }
0xae: {  	[dreg:$0x2] =	wrdreg s24  }
0xaf: {  	[dreg:$0x3] =	wrdreg $0x57000  }
0xb0: {  	[dreg:$0x4] =	wrdreg $0x9  }
0xb1: {  	_ =	task.clear_ibuf [dreg:s6], $0x5FFFF;
	_ =	strace $0x9000004F  }
0xb2: {  	s29 =	simm.s32 $0x9;
	_ =	strace $0x80000051  }
0xb3: {  	_ =	swait.ge [sflag:s29], $0x1  }
0xb4: {  	[sflag:s29] =	ssyncadd.s32 $0xFFFFFFFF  }
0xb5: {  	_ =	strace $0x90000051  }
0xb6: {  	_ =	sfence  }
0xb7: {  	s30 =	sld [smem:$0x0];
	_ =	sdelay $0x2  }
0xb8: {  	s31 =	sshll.u32 s1, $0xD;
	s1 =	sshrl.u32 s1, $0x2  }
0xb9: {  	s3 =	sand.u32 $0x4000, s31;
	s1 =	sadd.s32 s1, s30  }
0xba: {  	s0 =	sor.u32 s3, s0;
	s1 =	sshll.u32 s1, $0x11  }
0xbb: {  	s0 =	sor.u32 s1, s0  }
0xbc: {  	s0 =	sadd.s32 $0x8F2B, s0  }
0xbd: {  	[sflag:s0] =	ssyncadd.remote.s32 $0x1  }
0xbe: {  	_ =	sfence.sel $0xFFFF  }
0xbf: {  	[dreg:$0x0] =	wrdreg $0xFFFFFFFF;
	(pc) =	sbr.abs _section_cstart, $3  }
0xc0: {  	[dreg:$0x1] =	wrdreg $0xFFFFFFFF  }
0xc1: {  	_ =	task.clear_ibuf [dreg:s6], $0x2FFFF;
	_ =	strace $0x9FFFFFFF  }
0xc2: {  	(tm) =	ssettm $0x7FFFFFFF  }
0xc3: {  	_ =	shalt  }
tec
execute0_lowered:
.L_overlay_start_1:
0x0: {  	(tag) =	ssettag $0x1  }
0x1: {  	s5 =	rddreg [dreg:$0x0]  }
0x2: {  	s2 =	rddreg [dreg:$0x1]  }
0x3: {  	s0 =	rddreg [dreg:$0x2]  }
0x4: {  	s3 =	simm.s32 $0x0;
	s4 =	srdreg.scid;
	s1 =	stileid.u32  }
0x5: {  	s14 =	simm.s32 $0x1;
	s15 =	simm.s32 $0x2780;
	s16 =	simm.s32 $0x4F00  }
0x6: {  	s17 =	simm.s32 $0x80;
	s20 =	simm.s32 $0x0;
	s6 =	sand.u32 $0x1, s4  }
0x7: {  	s29 =	sshll.u32 s1, $0x1;
	s7 =	smul.u32 $0x2800, s1;
	[smem:$0x7FF] =	sst s3  }
0x8: {  	s4 =	sadd.s32 $0xC800, s5;
	s10 =	smul.u32 $0xA000, s1;
	s18 =	sshll.u32 s1, $0x6  }
0x9: {  	s8 =	sor.u32 s6, s29;
	s9 =	smul.u32 $0x28000, s6;
	_ =	strace $0x80000050  }
0xa: {  	s6 =	ssub.s32 $0x2, s6;
	s18 =	sor.u32 $0x1C01, s18;
	s8 =	smul.u32 $0x4F0, s8  }
0xb: {  	s11 =	sshrl.u32 s6, $0x1;
	s30 =	sshrl.u32 s10, $0x2;
	s9 =	sadd.s32 s7, s9  }
0xc: {  	s13 =	ssub.s32 s6, s11;
	s31 =	sadd.s32 s30, s2;
	s7 =	sadd.s32 s7, s2  }
0xd: {  	s8 =	sadd.s32 s8, s5;
	s9 =	sshrl.u32 s9, $0x3;
	s10 =	sadd.s32 $0x1800, s31  }
0xe: {  	s11 =	sadd.s32 $0x2000, s31;
	s13 =	smax.u32 s13, $0x1;
	s19 =	sshrl.u32 s7, $0x3  }
0xf: {  	s12 =	sadd.s32 s9, s5;
	s5 =	sadd.s32 $0x16800, s8;
	s6 =	sadd.s32 $0x2A00, s8  }
0x10: {  	v0 =	vimm.f32 $0.0e+00;
	s8 =	sadd.s32 $0x800, s31;
	s9 =	sadd.s32 $0x1000, s31;
	s12 =	sadd.s32 $0x20600, s12  }
.LBB2_1:
0x11: {  	[tilespmem:s3], [sflag:$0x1] =	stream.linear.gather [hbm4b:s5+s3], $0x2780, $0x38;
	[tilespmem:$0x7F00] =	vst v63  }
0x12: {  	_ =	swait.ge [sflag:s14], $0x2780  }
0x13: {  	[sflag:s14] =	ssyncset.done $0x0  }
0x14: {  	[sflag:s14] =	ssyncadd.s32 $0xFFFFD880  }
0x15: {  	[tilespmem:s15], [sflag:$0x1] =	stream.linear.gather [hbm4b:s6+s3], $0x2780, $0x38;
	[tilespmem:$0x7F00] =	vst v63  }
0x16: {  	_ =	swait.ge [sflag:s14], $0x2780  }
0x17: {  	[sflag:s14] =	ssyncset.done $0x0  }
0x18: {  	s21 =	simm.s32 $0x40;
	s22 =	simm.s32 $0x0;
	[sflag:s14] =	ssyncadd.s32 $0xFFFFD880  }
.LBB2_2:
0x19: {  	p0 =	sne.s32 s21, $0x1FC0;
	[tilespmem:s22+$0x4F00] =	vst v0;
	s22 =	smov.u32 s21;
	s21 =	sadd.s32 $0x40, s21  }
.Ltmp0:
0x1a: {  	(pc) =	sbr.rel @p0 .LBB2_2-.Ltmp0, $2  }
0x1b: {  	_ =	sdelay $0x2  }
0x1c: {  	s22 =	sshra.s32 s22, $0x2  }
0x1d: {  	[tilespmem:s22+$0x4F00] =	vst v0  }
0x1e: {  	[spmem:s7] =	stream.linear.scatter [tilespmem:s16], [sflag:$0x1], $0x800, $0x38;
	[tilespmem:$0x7F00] =	vst v63  }
0x1f: {  	_ =	swait.ge [sflag:s14], $0x800  }
0x20: {  	[sflag:s14] =	ssyncset.done $0x0  }
0x21: {  	[sflag:s14] =	ssyncadd.s32 $0xFFFFF800  }
0x22: {  	[spmem:s8] =	stream.linear.scatter [tilespmem:s16], [sflag:$0x1], $0x800, $0x38;
	[tilespmem:$0x7F00] =	vst v63  }
0x23: {  	_ =	swait.ge [sflag:s14], $0x800  }
0x24: {  	[sflag:s14] =	ssyncset.done $0x0  }
0x25: {  	[sflag:s14] =	ssyncadd.s32 $0xFFFFF800  }
0x26: {  	[spmem:s9] =	stream.linear.scatter [tilespmem:s16], [sflag:$0x1], $0x800, $0x38;
	[tilespmem:$0x7F00] =	vst v63  }
0x27: {  	_ =	swait.ge [sflag:s14], $0x800  }
0x28: {  	[sflag:s14] =	ssyncset.done $0x0  }
0x29: {  	[sflag:s14] =	ssyncadd.s32 $0xFFFFF800  }
0x2a: {  	[spmem:s10] =	stream.linear.scatter [tilespmem:s16], [sflag:$0x1], $0x800, $0x38;
	[tilespmem:$0x7F00] =	vst v63  }
0x2b: {  	_ =	swait.ge [sflag:s14], $0x800  }
0x2c: {  	[sflag:s14] =	ssyncset.done $0x0  }
0x2d: {  	[sflag:s14] =	ssyncadd.s32 $0xFFFFF800  }
0x2e: {  	[spmem:s11] =	stream.linear.scatter [tilespmem:s16], [sflag:$0x1], $0x800, $0x38;
	[tilespmem:$0x7F00] =	vst v63  }
0x2f: {  	_ =	swait.ge [sflag:s14], $0x800  }
0x30: {  	[sflag:s14] =	ssyncset.done $0x0  }
0x31: {  	[sflag:s14] =	ssyncadd.s32 $0xFFFFF800  }
0x32: {  	s21 =	simm.s32 $0x0;
	[bflag:$0x0] =	sbarrier.arrive $0xFFFF  }
0x33: {  	[tilespmem:s16], [sflag:$0x1] =	stream.indirect.gather [hbm4b:s4+s17], $0x10, s21, s17, $0xb8;
	[tilespmem:$0x7F00] =	vst v63  }
0x34: {  	_ =	swait.ge [sflag:s14], $0x800  }
0x35: {  	[sflag:s14] =	ssyncset.done $0x0  }
0x36: {  	s31 =	simm.s32 $0x2780;
	[sflag:s14] =	ssyncadd.s32 $0xFFFFF800  }
0x37: {  	[spmem:s2] =	stream.indirect.scatter.add.f32 [tilespmem:s16], [sflag:$0x1], $0x10, s31, s17, $0xb8;
	[tilespmem:$0x7F00] =	vst v63  }
0x38: {  	_ =	swait.ge [sflag:s14], $0x800  }
0x39: {  	s22 =	simm.s32 $0x400;
	s21 =	simm.s32 $0x200;
	[sflag:s14] =	ssyncset.done $0x0  }
.LBB2_4:
0x3a: {  	s23 =	sshra.s32 s21, $0x2  }
0x3b: {  	[sflag:s14] =	ssyncadd.s32 $0xFFFFF800;
	s21 =	smov.u32 s22;
	s24 =	sadd.s32 $0x200, s22  }
0x3c: {  	[tilespmem:s16], [sflag:$0x1] =	stream.indirect.gather [hbm4b:s4+s17], $0x10, s23, s17, $0xb8;
	[tilespmem:$0x7F00] =	vst v63  }
0x3d: {  	p0 =	sne.s32 s22, $0x9C00;
	_ =	swait.ge [sflag:s14], $0x800  }
.Ltmp1:
0x3e: {  	[sflag:s14] =	ssyncset.done $0x0;
	(pc) =	sbr.rel @p0 .LBB2_4-.Ltmp1, $4  }
0x3f: {  	s22 =	sadd.s32 $0x2780, s23;
	[sflag:s14] =	ssyncadd.s32 $0xFFFFF800  }
0x40: {  	[spmem:s2] =	stream.indirect.scatter.add.f32 [tilespmem:s16], [sflag:$0x1], $0x10, s22, s17, $0xb8;
	[tilespmem:$0x7F00] =	vst v63  }
0x41: {  	_ =	swait.ge [sflag:s14], $0x800  }
0x42: {  	s22 =	smov.u32 s24;
	[sflag:s14] =	ssyncset.done $0x0  }
0x43: {  	s21 =	sshra.s32 s21, $0x2;
	[sflag:s14] =	ssyncadd.s32 $0xFFFFF800  }
0x44: {  	[tilespmem:s16], [sflag:$0x1] =	stream.indirect.gather [hbm4b:s4+s17], $0x10, s21, s17, $0xb8;
	[tilespmem:$0x7F00] =	vst v63  }
0x45: {  	_ =	swait.ge [sflag:s14], $0x800  }
0x46: {  	[sflag:s14] =	ssyncset.done $0x0  }
0x47: {  	s21 =	sadd.s32 $0x2780, s21;
	[sflag:s14] =	ssyncadd.s32 $0xFFFFF800  }
0x48: {  	[spmem:s2] =	stream.indirect.scatter.add.f32 [tilespmem:s16], [sflag:$0x1], $0x10, s21, s17, $0xb8;
	[tilespmem:$0x7F00] =	vst v63  }
0x49: {  	_ =	swait.ge [sflag:s14], $0x800  }
0x4a: {  	s20 =	sadd.s32 $0x1, s20;
	[sflag:s14] =	ssyncset.done $0x0  }
0x4b: {  	p0 =	sne.s32 s20, s13;
	[sflag:s14] =	ssyncadd.s32 $0xFFFFF800  }
.Ltmp2:
0x4c: {  	[bflag:$0x0] =	sbarrier.arrive $0xFFFF;
	(pc) =	sbr.rel @p0 .LBB2_1-.Ltmp2, $4  }
0x4d: {  	[hbm:s12], [sflag:s18] =	dma.local [spmem:s19], $0x500  }
0x4e: {  	_ =	swait.ge [sflag:s14], $0x500  }
0x4f: {  	[sflag:s14] =	ssyncset.done $0x0  }
0x50: {  	[sflag:s14] =	ssyncadd.s32 $0xFFFFFB00  }
0x51: {  	_ =	sfence.sel $0x180000  }
0x52: {  	[bflag:$0x0] =	sbarrier.arrive $0xFFFF  }
0x53: {  	p0 =	sne.s32 s1, $0x0;
	_ =	strace $0x90000050  }
0x54: {  	s0 =	sadd.s32 @!p0 $0x100000, s0;
	[bflag:$0x2] =	sbarrier.arrive $0xFFFF  }
0x55: {  	[sflag:s0] =	ssyncadd.tile.s32 @!p0 $0x1;
	_ =	shalt  }
.Lfunc_end2:
_tile_overlayer_lowered:
.L_overlay_start_2:
0x56: {  	(tag) =	ssettag $0x2  }
0x57: {  	s0 =	rddreg [dreg:$0x0];
	s2 =	stileid.u32  }
0x58: {  	s1 =	rddreg [dreg:$0x1];
	p0 =	sne.s32 s2, $0x0  }
0x59: {  	s3 =	rddreg [dreg:$0x2];
	[bflag:$0x3] =	sbarrier.arrive $0xFFFF;
	s2 =	simm.s32 @!p0 $0x1C01  }
0x5a: {  	[timem:s3], [sflag:s2] =	dma.local @!p0 [hbm:s0], s1  }
0x5b: {  	s0 =	simm.s32 @!p0 $0x1  }
0x5c: {  	_ =	swait.ge @!p0 [sflag:s0], s1  }
0x5d: {  	s1 =	ssub.s32 @!p0 $0x0, s1;
	[sflag:s0] =	ssyncset.done @!p0 $0x0  }
0x5e: {  	[sflag:s0] =	ssyncadd.s32 @!p0 s1  }
0x5f: {  	[bflag:$0x3] =	sbarrier.arrive $0xFFFF  }
0x60: {  	_ =	shalt  }

</sc_bundles>
